<compile_context>
chip_gen: v7x
topology: tpu7x:2x2x1
jax: 0.10.2.dev20260603
libtpu: 0.0.44.dev20260713+nightly
codegen_flags: <defaults>
</compile_context>

<pallas_src>
import functools

import jax
import jax.numpy as jnp
from jax import lax
from jax.experimental import pallas as pl
from jax.experimental.pallas import tpu as pltpu
from jax.experimental.pallas import tpu_sc as plsc

BATCH = 16384
D0 = 4096
M = 64
H = 64
BB = 512

NC = 2
NS = 16
NW = NC * NS
RPW = BATCH // NW
CH = 128
NCH = RPW // CH


def _top2_onehot(e, n):
    it = lax.broadcasted_iota(jnp.int32, e.shape, 0)
    m1 = jnp.max(e, axis=0, keepdims=True)
    i1 = jnp.min(jnp.where(e == m1, it, n), axis=0, keepdims=True)
    em = jnp.where(it == i1, -jnp.inf, e)
    m2 = jnp.max(em, axis=0, keepdims=True)
    i2 = jnp.min(jnp.where(em == m2, it, n), axis=0, keepdims=True)
    s1 = (it == i1).astype(jnp.float32)
    s2 = (it == i2).astype(jnp.float32)
    return (jnp.concatenate([s1, s2], axis=1),
            jnp.concatenate([i1, i2], axis=1))


def _route_body(e0_ref, e1_ref, e2_ref, r0_ref, b2f0_ref, r1_ref, b2f1_ref,
                cols_ref, g0_ref, c0_ref, g1_ref, c1_ref):
    f32 = jnp.float32
    _, i0 = _top2_onehot(e0_ref[...], D0)
    cols_ref[...] = jnp.broadcast_to(i0, (8, 2 * M))
    s1, _ = _top2_onehot(e1_ref[...], M)
    g0_ref[...] = jnp.dot(r0_ref[...], s1, preferred_element_type=f32)
    c0_ref[...] = jnp.broadcast_to(
        jnp.dot(b2f0_ref[0:1, :], s1, preferred_element_type=f32), (8, 2 * M))
    s2, _ = _top2_onehot(e2_ref[...], M)
    g1_ref[...] = jnp.dot(r1_ref[...], s2, preferred_element_type=f32)
    c1_ref[...] = jnp.broadcast_to(
        jnp.dot(b2f1_ref[0:1, :], s2, preferred_element_type=f32), (8, 2))


def _sc_gather(xflat, cols):
    mesh = plsc.VectorSubcoreMesh(core_axis_name="c", subcore_axis_name="s")
    CW = CH * 2 * M

    @functools.partial(
        pl.kernel, mesh=mesh,
        out_type=jax.ShapeDtypeStruct((BATCH * 2 * M,), jnp.float32),
        scratch_types=(
            [pltpu.VMEM((2 * M,), jnp.int32)]
            + [pltpu.VMEM((CW,), jnp.int32) for _ in range(2)]
            + [pltpu.VMEM((CW,), jnp.float32) for _ in range(2)]
            + [pltpu.SemaphoreType.DMA for _ in range(2)]
        ),
    )
    def gk(x_hbm, cols_hbm, out_hbm, cols_v, idx0, idx1, buf0, buf1,
           sem0, sem1):
        idx_v, buf_v, sems = (idx0, idx1), (buf0, buf1), (sem0, sem1)
        wid = lax.axis_index("s") * NC + lax.axis_index("c")
        row0 = wid * RPW
        pltpu.sync_copy(cols_hbm, cols_v)

        def fill_and_fire(ch):
            s = ch % 2
            base = (row0 + ch * CH) * D0

            def fill(r, _, s=s, base=base):
                off = base + r * D0
                for j in range(2 * M // 16):
                    idx_v[s][pl.ds(r * 2 * M + 16 * j, 16)] = (
                        cols_v[pl.ds(16 * j, 16)] + off)
                return 0

            lax.fori_loop(0, CH, fill, 0)
            return pltpu.async_copy(x_hbm.at[idx_v[s]], buf_v[s], sems[s])

        cps = {0: fill_and_fire(0)}
        for ch in range(NCH):
            if ch + 1 < NCH:
                cps[ch + 1] = fill_and_fire(ch + 1)
            cps[ch].wait()
            pltpu.sync_copy(buf_v[ch % 2],
                            out_hbm.at[pl.ds((row0 + ch * CH) * 2 * M, CW)])

    return gk(xflat, cols)


def _main_body(u_ref, p0_ref, b1f0_ref, g0_ref, c0_ref,
               p1_ref, b1f1_ref, g1_ref, c1_ref, o_ref):
    f32 = jnp.float32
    a0 = jnp.maximum(jnp.dot(u_ref[...], p0_ref[...], preferred_element_type=f32)
                     + b1f0_ref[0:1, :], 0.0)
    u1 = jnp.dot(a0, g0_ref[...], preferred_element_type=f32) + c0_ref[0:1, :]
    a1 = jnp.maximum(jnp.dot(u1, p1_ref[...], preferred_element_type=f32)
                     + b1f1_ref[0:1, :], 0.0)
    o_ref[...] = jax.nn.sigmoid(
        jnp.dot(a1, g1_ref[...], preferred_element_type=f32) + c1_ref[0:1, :])


def _block_weights(W1, b1, W2, b2):
    eye = jnp.eye(M, dtype=jnp.float32)
    P = jnp.einsum('mn,mhi->imnh', eye, W1).reshape(2 * M, M * H)
    b1f = jnp.broadcast_to(b1.reshape(1, M * H), (8, M * H))
    R = jnp.einsum('mn,mh->mhn', eye, W2[:, 0, :]).reshape(M * H, M)
    b2f = jnp.broadcast_to(b2.reshape(1, M), (8, M))
    return P, b1f, R, b2f


def kernel(x, task_id, emb0, emb1, emb2,
           mlp0_W1, mlp0_b1, mlp0_W2, mlp0_b2,
           mlp1_W1, mlp1_b1, mlp1_W2, mlp1_b2):
    e0 = lax.dynamic_index_in_dim(emb0, task_id, 0, keepdims=False)
    e1 = lax.dynamic_index_in_dim(emb1, task_id, 0, keepdims=False)
    e2 = lax.dynamic_index_in_dim(emb2, task_id, 0, keepdims=False)

    P0, b1f0, R0, b2f0 = _block_weights(mlp0_W1, mlp0_b1, mlp0_W2, mlp0_b2)
    P1, b1f1, R1, b2f1 = _block_weights(mlp1_W1, mlp1_b1, mlp1_W2, mlp1_b2)

    cols8, G0, c0, G1, c1 = pl.pallas_call(
        _route_body,
        out_shape=(
            jax.ShapeDtypeStruct((8, 2 * M), jnp.int32),
            jax.ShapeDtypeStruct((M * H, 2 * M), jnp.float32),
            jax.ShapeDtypeStruct((8, 2 * M), jnp.float32),
            jax.ShapeDtypeStruct((M * H, 2), jnp.float32),
            jax.ShapeDtypeStruct((8, 2), jnp.float32),
        ),
    )(e0, e1, e2, R0, b2f0, R1, b2f1)

    u = _sc_gather(x.reshape(-1), cols8[0]).reshape(BATCH, 2 * M)

    nblk = BATCH // BB
    full = lambda shape: pl.BlockSpec(shape, lambda i: (0, 0))
    out = pl.pallas_call(
        _main_body,
        grid=(nblk,),
        in_specs=[
            pl.BlockSpec((BB, 2 * M), lambda i: (i, 0)),
            full((2 * M, M * H)), full((8, M * H)),
            full((M * H, 2 * M)), full((8, 2 * M)),
            full((2 * M, M * H)), full((8, M * H)),
            full((M * H, 2)), full((8, 2)),
        ],
        out_specs=pl.BlockSpec((BB, 2), lambda i: (i, 0)),
        out_shape=jax.ShapeDtypeStruct((BATCH, 2), jnp.float32),
    )(u, P0, b1f0, G0, c0, P1, b1f1, G1, c1)
    return out

# --- scband reference (transcript-rebuilt; emitter-appended) ---
"""Pipeline reference for scband-hierarchically-modular-37907381355022 (READ-ONLY COPY).

The authoritative reference and input builder live on the scoring server;
editing this copy changes nothing except your own understanding.
"""

import jax, jax.numpy as jnp
import numpy as np

NUM_TASKS = 8
INPUT_DIM = 4096
NUM_MODULES = [64, 64]
HIDDEN = 64
BATCH = 16384
TOPK = 2
TAU = 1.0


def setup_inputs(seed: int = 0) -> dict:
    key = jax.random.key(seed)
    ks = jax.random.split(key, 16)
    inp = {}
    inp["x"] = jax.random.normal(ks[0], (BATCH, INPUT_DIM), dtype=jnp.float32)
    inp["task_id"] = 3
    # routing embeddings (torch.randn in __init__ since known_routing=False)
    inp["emb0"] = jax.random.normal(ks[1], (NUM_TASKS, INPUT_DIM, NUM_MODULES[0]), dtype=jnp.float32)
    inp["emb1"] = jax.random.normal(ks[2], (NUM_TASKS, NUM_MODULES[0], NUM_MODULES[1]), dtype=jnp.float32)
    inp["emb2"] = jax.random.normal(ks[3], (NUM_TASKS, NUM_MODULES[1], 1), dtype=jnp.float32)
    # stacked per-module MLP params: Linear(2,HIDDEN) -> ReLU -> Linear(HIDDEN,1)
    for l in range(2):
        M = NUM_MODULES[l]
        b1 = 1.0 / np.sqrt(2.0)
        b2 = 1.0 / np.sqrt(float(HIDDEN))
        inp[f"mlp{l}_W1"] = jax.random.uniform(ks[4 + 4 * l], (M, HIDDEN, 2), minval=-b1, maxval=b1, dtype=jnp.float32)
        inp[f"mlp{l}_b1"] = jax.random.uniform(ks[5 + 4 * l], (M, HIDDEN), minval=-b1, maxval=b1, dtype=jnp.float32)
        inp[f"mlp{l}_W2"] = jax.random.uniform(ks[6 + 4 * l], (M, 1, HIDDEN), minval=-b2, maxval=b2, dtype=jnp.float32)
        inp[f"mlp{l}_b2"] = jax.random.uniform(ks[7 + 4 * l], (M, 1), minval=-b2, maxval=b2, dtype=jnp.float32)
    return inp


def _topk_masks(logits, tau):
    # gumbel_sigmoid with use_gumbel=False, hard=True, k=2, dim=1:
    # returns straight-through one-hot masks of the top-1 and top-2 entries along dim=1.
    soft = jax.nn.sigmoid(logits / tau)
    lt = jnp.swapaxes(logits, 1, 2)          # (T, M, D)
    _, idx = jax.lax.top_k(lt, 2)            # (T, M, 2)
    D = logits.shape[1]
    h1 = jnp.swapaxes(jax.nn.one_hot(idx[..., 0], D, dtype=logits.dtype), 1, 2)  # (T, D, M)
    h2 = jnp.swapaxes(jax.nn.one_hot(idx[..., 1], D, dtype=logits.dtype), 1, 2)
    s1 = h1 + soft - jax.lax.stop_gradient(soft)
    s2 = h2 + soft - jax.lax.stop_gradient(soft)
    return s1, s2


def _layer(x, emb, W1, b1, W2, b2, task_id):
    s1, s2 = _topk_masks(emb, TAU)
    v1 = x @ s1[task_id]                      # (B, M): per-module masked sum over features
    v2 = x @ s2[task_id]                      # (B, M)
    inp = jnp.stack([v1, v2], axis=-1)        # (B, M, 2) == cat(variable_1, variable_2)
    h = jax.nn.relu(jnp.einsum('bmi,mhi->bmh', inp, W1) + b1[None])
    out = jnp.einsum('bmh,moh->bmo', h, W2) + b2[None]
    return out[..., 0]                        # (B, M): module outputs concatenated on dim=1


def reference(x, task_id, emb0, emb1, emb2,
              mlp0_W1, mlp0_b1, mlp0_W2, mlp0_b2,
              mlp1_W1, mlp1_b1, mlp1_W2, mlp1_b2):
    x = _layer(x, emb0, mlp0_W1, mlp0_b1, mlp0_W2, mlp0_b2, task_id)
    x = _layer(x, emb1, mlp1_W1, mlp1_b1, mlp1_W2, mlp1_b2, task_id)
    s1, s2 = _topk_masks(emb2, TAU)
    v1 = x @ s1[task_id]                      # (B, 1)
    v2 = x @ s2[task_id]                      # (B, 1)
    return jax.nn.sigmoid(jnp.concatenate([v1, v2], axis=1))

if __name__ == "__main__":
    import jax
    _d = setup_inputs()
    print(jax.jit(kernel)(*tuple(_d.values())))

</pallas_src>

<mosaic_0001>
#map = affine_map<(d0, d1) -> (0)>
module attributes {stable_mosaic.version = 14 : i64} {
  func.func @gk(%arg0: i32, %arg1: i32, %arg2: memref<67108864xf32, #tpu.memory_space<hbm>>, %arg3: memref<128xi32, #tpu.memory_space<hbm>>, %arg4: memref<2097152xf32, #tpu.memory_space<hbm>>, %arg5: memref<128xi32, #tpu.memory_space<vmem>>, %arg6: memref<16384xi32, #tpu.memory_space<vmem>>, %arg7: memref<16384xi32, #tpu.memory_space<vmem>>, %arg8: memref<16384xf32, #tpu.memory_space<vmem>>, %arg9: memref<16384xf32, #tpu.memory_space<vmem>>, %arg10: memref<!tpu.dma_semaphore, #tpu.memory_space<semaphore_mem>>, %arg11: memref<!tpu.dma_semaphore, #tpu.memory_space<semaphore_mem>>) attributes {dimension_semantics = [#tpu.dimension_semantics<core_parallel>, #tpu.dimension_semantics<subcore_parallel>], iteration_bounds = array<i64: 2, 16>, scalar_prefetch = 0 : i64, scratch_operands = 7 : i64, tpu.core_type = #tpu.core_type<sc_vector_subcore>, window_params = [{transform_indices = #map}, {transform_indices = #map}, {transform_indices = #map}]} {
    %mul3A = arith.constant 2 : i32
    %mul3A_0 = arith.muli %arg1, %mul3A : i32
    %add3A = arith.addi %mul3A_0, %arg0 : i32
    %mul3A_1 = arith.constant 512 : i32
    %mul3A_2 = arith.muli %add3A, %mul3A_1 : i32
    "tpu.region"() ({
      %run_scoped3A = tpu.sem_alloc : memref<!tpu.dma_semaphore, #tpu.memory_space<semaphore_mem>>
      tpu.enqueue_dma source(%arg3 : memref<128xi32, #tpu.memory_space<hbm>>) target(%arg5 : memref<128xi32, #tpu.memory_space<vmem>>) target_semaphore(%run_scoped3A : memref<!tpu.dma_semaphore, #tpu.memory_space<semaphore_mem>>)
      tpu.wait_dma2 semaphore(%run_scoped3A : memref<!tpu.dma_semaphore, #tpu.memory_space<semaphore_mem>>) src(%arg3 : memref<128xi32, #tpu.memory_space<hbm>>) dst(%arg5 : memref<128xi32, #tpu.memory_space<vmem>>)
      tpu.yield
    }) : () -> ()
    %add3A_3 = arith.constant 0 : i32
    %add3A_4 = arith.addi %mul3A_2, %add3A_3 : i32
    %mul3A_5 = arith.constant 4096 : i32
    %mul3A_6 = arith.muli %add3A_4, %mul3A_5 : i32
    %scan3A = arith.constant 0 : i32
    %scan3A_7 = arith.constant 0 : i32
    %scan3A_8 = arith.constant 128 : i32
    %scan3A_9 = arith.addi %scan3A_7, %scan3A_8 : i32
    %scan3A_10 = arith.constant 1 : i32
    %scan3A_11 = scf.for %scan3A_84 = %scan3A_7 to %scan3A_9 step %scan3A_10 iter_args(%scan3A_85 = %scan3A) -> (i32)  : i32 {
      %mul3A_86 = arith.constant 4096 : i32
      %mul3A_87 = arith.muli %scan3A_84, %mul3A_86 : i32
      %add3A_88 = arith.addi %mul3A_6, %mul3A_87 : i32
      %get3A = arith.constant 0 : index
      %get3A_89 = tpu.vector_load %arg5[%get3A] {strides = array<i32>} : memref<128xi32, #tpu.memory_space<vmem>>, vector<16xi32>,
      %get3A_90 = vector.shape_cast %get3A_89 : vector<16xi32> to vector<16xi32>
      %add3A_91 = vector.broadcast %add3A_88 : i32 to vector<16xi32>
      %add3A_92 = arith.addi %get3A_90, %add3A_91 : vector<16xi32>
      %mul3A_93 = arith.constant 2 : i32
      %mul3A_94 = arith.muli %scan3A_84, %mul3A_93 : i32
      %mul3A_95 = arith.constant 64 : i32
      %mul3A_96 = arith.muli %mul3A_94, %mul3A_95 : i32
      %add3A_97 = arith.constant 0 : i32
      %add3A_98 = arith.addi %mul3A_96, %add3A_97 : i32
      %swap3A = arith.index_cast %add3A_98 : i32 to index
      %swap3A_99 = tpu.vector_load %arg6[%swap3A] {strides = array<i32>} : memref<16384xi32, #tpu.memory_space<vmem>>, vector<16xi32>,
      %swap3A_100 = vector.shape_cast %swap3A_99 : vector<16xi32> to vector<16xi32>
      %swap3A_101 = vector.shape_cast %add3A_92 : vector<16xi32> to vector<16xi32>
      tpu.vector_store %arg6[%swap3A], %swap3A_101 {strides = array<i32>} : memref<16384xi32, #tpu.memory_space<vmem>>, vector<16xi32>,
      %get3A_102 = arith.constant 16 : index
      %get3A_103 = tpu.vector_load %arg5[%get3A_102] {strides = array<i32>} : memref<128xi32, #tpu.memory_space<vmem>>, vector<16xi32>,
      %get3A_104 = vector.shape_cast %get3A_103 : vector<16xi32> to vector<16xi32>
      %add3A_105 = vector.broadcast %add3A_88 : i32 to vector<16xi32>
      %add3A_106 = arith.addi %get3A_104, %add3A_105 : vector<16xi32>
      %mul3A_107 = arith.constant 2 : i32
      %mul3A_108 = arith.muli %scan3A_84, %mul3A_107 : i32
      %mul3A_109 = arith.constant 64 : i32
      %mul3A_110 = arith.muli %mul3A_108, %mul3A_109 : i32
      %add3A_111 = arith.constant 16 : i32
      %add3A_112 = arith.addi %mul3A_110, %add3A_111 : i32
      %swap3A_113 = arith.index_cast %add3A_112 : i32 to index
      %swap3A_114 = tpu.vector_load %arg6[%swap3A_113] {strides = array<i32>} : memref<16384xi32, #tpu.memory_space<vmem>>, vector<16xi32>,
      %swap3A_115 = vector.shape_cast %swap3A_114 : vector<16xi32> to vector<16xi32>
      %swap3A_116 = vector.shape_cast %add3A_106 : vector<16xi32> to vector<16xi32>
      tpu.vector_store %arg6[%swap3A_113], %swap3A_116 {strides = array<i32>} : memref<16384xi32, #tpu.memory_space<vmem>>, vector<16xi32>,
      %get3A_117 = arith.constant 32 : index
      %get3A_118 = tpu.vector_load %arg5[%get3A_117] {strides = array<i32>} : memref<128xi32, #tpu.memory_space<vmem>>, vector<16xi32>,
      %get3A_119 = vector.shape_cast %get3A_118 : vector<16xi32> to vector<16xi32>
      %add3A_120 = vector.broadcast %add3A_88 : i32 to vector<16xi32>
      %add3A_121 = arith.addi %get3A_119, %add3A_120 : vector<16xi32>
      %mul3A_122 = arith.constant 2 : i32
      %mul3A_123 = arith.muli %scan3A_84, %mul3A_122 : i32
      %mul3A_124 = arith.constant 64 : i32
      %mul3A_125 = arith.muli %mul3A_123, %mul3A_124 : i32
      %add3A_126 = arith.constant 32 : i32
      %add3A_127 = arith.addi %mul3A_125, %add3A_126 : i32
      %swap3A_128 = arith.index_cast %add3A_127 : i32 to index
      %swap3A_129 = tpu.vector_load %arg6[%swap3A_128] {strides = array<i32>} : memref<16384xi32, #tpu.memory_space<vmem>>, vector<16xi32>,
      %swap3A_130 = vector.shape_cast %swap3A_129 : vector<16xi32> to vector<16xi32>
      %swap3A_131 = vector.shape_cast %add3A_121 : vector<16xi32> to vector<16xi32>
      tpu.vector_store %arg6[%swap3A_128], %swap3A_131 {strides = array<i32>} : memref<16384xi32, #tpu.memory_space<vmem>>, vector<16xi32>,
      %get3A_132 = arith.constant 48 : index
      %get3A_133 = tpu.vector_load %arg5[%get3A_132] {strides = array<i32>} : memref<128xi32, #tpu.memory_space<vmem>>, vector<16xi32>,
      %get3A_134 = vector.shape_cast %get3A_133 : vector<16xi32> to vector<16xi32>
      %add3A_135 = vector.broadcast %add3A_88 : i32 to vector<16xi32>
      %add3A_136 = arith.addi %get3A_134, %add3A_135 : vector<16xi32>
      %mul3A_137 = arith.constant 2 : i32
      %mul3A_138 = arith.muli %scan3A_84, %mul3A_137 : i32
      %mul3A_139 = arith.constant 64 : i32
      %mul3A_140 = arith.muli %mul3A_138, %mul3A_139 : i32
      %add3A_141 = arith.constant 48 : i32
      %add3A_142 = arith.addi %mul3A_140, %add3A_141 : i32
      %swap3A_143 = arith.index_cast %add3A_142 : i32 to index
      %swap3A_144 = tpu.vector_load %arg6[%swap3A_143] {strides = array<i32>} : memref<16384xi32, #tpu.memory_space<vmem>>, vector<16xi32>,
      %swap3A_145 = vector.shape_cast %swap3A_144 : vector<16xi32> to vector<16xi32>
      %swap3A_146 = vector.shape_cast %add3A_136 : vector<16xi32> to vector<16xi32>
      tpu.vector_store %arg6[%swap3A_143], %swap3A_146 {strides = array<i32>} : memref<16384xi32, #tpu.memory_space<vmem>>, vector<16xi32>,
      %get3A_147 = arith.constant 64 : index
      %get3A_148 = tpu.vector_load %arg5[%get3A_147] {strides = array<i32>} : memref<128xi32, #tpu.memory_space<vmem>>, vector<16xi32>,
      %get3A_149 = vector.shape_cast %get3A_148 : vector<16xi32> to vector<16xi32>
      %add3A_150 = vector.broadcast %add3A_88 : i32 to vector<16xi32>
      %add3A_151 = arith.addi %get3A_149, %add3A_150 : vector<16xi32>
      %mul3A_152 = arith.constant 2 : i32
      %mul3A_153 = arith.muli %scan3A_84, %mul3A_152 : i32
      %mul3A_154 = arith.constant 64 : i32
      %mul3A_155 = arith.muli %mul3A_153, %mul3A_154 : i32
      %add3A_156 = arith.constant 64 : i32
      %add3A_157 = arith.addi %mul3A_155, %add3A_156 : i32
      %swap3A_158 = arith.index_cast %add3A_157 : i32 to index
      %swap3A_159 = tpu.vector_load %arg6[%swap3A_158] {strides = array<i32>} : memref<16384xi32, #tpu.memory_space<vmem>>, vector<16xi32>,
      %swap3A_160 = vector.shape_cast %swap3A_159 : vector<16xi32> to vector<16xi32>
      %swap3A_161 = vector.shape_cast %add3A_151 : vector<16xi32> to vector<16xi32>
      tpu.vector_store %arg6[%swap3A_158], %swap3A_161 {strides = array<i32>} : memref<16384xi32, #tpu.memory_space<vmem>>, vector<16xi32>,
      %get3A_162 = arith.constant 80 : index
      %get3A_163 = tpu.vector_load %arg5[%get3A_162] {strides = array<i32>} : memref<128xi32, #tpu.memory_space<vmem>>, vector<16xi32>,
      %get3A_164 = vector.shape_cast %get3A_163 : vector<16xi32> to vector<16xi32>
      %add3A_165 = vector.broadcast %add3A_88 : i32 to vector<16xi32>
      %add3A_166 = arith.addi %get3A_164, %add3A_165 : vector<16xi32>
      %mul3A_167 = arith.constant 2 : i32
      %mul3A_168 = arith.muli %scan3A_84, %mul3A_167 : i32
      %mul3A_169 = arith.constant 64 : i32
      %mul3A_170 = arith.muli %mul3A_168, %mul3A_169 : i32
      %add3A_171 = arith.constant 80 : i32
      %add3A_172 = arith.addi %mul3A_170, %add3A_171 : i32
      %swap3A_173 = arith.index_cast %add3A_172 : i32 to index
      %swap3A_174 = tpu.vector_load %arg6[%swap3A_173] {strides = array<i32>} : memref<16384xi32, #tpu.memory_space<vmem>>, vector<16xi32>,
      %swap3A_175 = vector.shape_cast %swap3A_174 : vector<16xi32> to vector<16xi32>
      %swap3A_176 = vector.shape_cast %add3A_166 : vector<16xi32> to vector<16xi32>
      tpu.vector_store %arg6[%swap3A_173], %swap3A_176 {strides = array<i32>} : memref<16384xi32, #tpu.memory_space<vmem>>, vector<16xi32>,
      %get3A_177 = arith.constant 96 : index
      %get3A_178 = tpu.vector_load %arg5[%get3A_177] {strides = array<i32>} : memref<128xi32, #tpu.memory_space<vmem>>, vector<16xi32>,
      %get3A_179 = vector.shape_cast %get3A_178 : vector<16xi32> to vector<16xi32>
      %add3A_180 = vector.broadcast %add3A_88 : i32 to vector<16xi32>
      %add3A_181 = arith.addi %get3A_179, %add3A_180 : vector<16xi32>
      %mul3A_182 = arith.constant 2 : i32
      %mul3A_183 = arith.muli %scan3A_84, %mul3A_182 : i32
      %mul3A_184 = arith.constant 64 : i32
      %mul3A_185 = arith.muli %mul3A_183, %mul3A_184 : i32
      %add3A_186 = arith.constant 96 : i32
      %add3A_187 = arith.addi %mul3A_185, %add3A_186 : i32
      %swap3A_188 = arith.index_cast %add3A_187 : i32 to index
      %swap3A_189 = tpu.vector_load %arg6[%swap3A_188] {strides = array<i32>} : memref<16384xi32, #tpu.memory_space<vmem>>, vector<16xi32>,
      %swap3A_190 = vector.shape_cast %swap3A_189 : vector<16xi32> to vector<16xi32>
      %swap3A_191 = vector.shape_cast %add3A_181 : vector<16xi32> to vector<16xi32>
      tpu.vector_store %arg6[%swap3A_188], %swap3A_191 {strides = array<i32>} : memref<16384xi32, #tpu.memory_space<vmem>>, vector<16xi32>,
      %get3A_192 = arith.constant 112 : index
      %get3A_193 = tpu.vector_load %arg5[%get3A_192] {strides = array<i32>} : memref<128xi32, #tpu.memory_space<vmem>>, vector<16xi32>,
      %get3A_194 = vector.shape_cast %get3A_193 : vector<16xi32> to vector<16xi32>
      %add3A_195 = vector.broadcast %add3A_88 : i32 to vector<16xi32>
      %add3A_196 = arith.addi %get3A_194, %add3A_195 : vector<16xi32>
      %mul3A_197 = arith.constant 2 : i32
      %mul3A_198 = arith.muli %scan3A_84, %mul3A_197 : i32
      %mul3A_199 = arith.constant 64 : i32
      %mul3A_200 = arith.muli %mul3A_198, %mul3A_199 : i32
      %add3A_201 = arith.constant 112 : i32
      %add3A_202 = arith.addi %mul3A_200, %add3A_201 : i32
      %swap3A_203 = arith.index_cast %add3A_202 : i32 to index
      %swap3A_204 = tpu.vector_load %arg6[%swap3A_203] {strides = array<i32>} : memref<16384xi32, #tpu.memory_space<vmem>>, vector<16xi32>,
      %swap3A_205 = vector.shape_cast %swap3A_204 : vector<16xi32> to vector<16xi32>
      %swap3A_206 = vector.shape_cast %add3A_196 : vector<16xi32> to vector<16xi32>
      tpu.vector_store %arg6[%swap3A_203], %swap3A_206 {strides = array<i32>} : memref<16384xi32, #tpu.memory_space<vmem>>, vector<16xi32>,
      %scan3A_207 = arith.constant 0 : i32
      scf.yield %scan3A_207 : i32
    }
    %scan3A_12 = arith.constant 128 : i32
    %dma_start3A = arith.constant 0 : i32
    %dma_start3A_13 = tpu.memref_slice %arg2[%dma_start3A] : memref<67108864xf32, #tpu.memory_space<hbm>> -> memref<67108864xf32, #tpu.memory_space<hbm>>
    tpu.enqueue_indirect_dma source(%dma_start3A_13 : memref<67108864xf32, #tpu.memory_space<hbm>>) target(%arg8 : memref<16384xf32, #tpu.memory_space<vmem>>) offsets(%arg6 : memref<16384xi32, #tpu.memory_space<vmem>>) semaphore(%arg10 : memref<!tpu.dma_semaphore, #tpu.memory_space<semaphore_mem>>)
    %add3A_14 = arith.constant 128 : i32
    %add3A_15 = arith.addi %mul3A_2, %add3A_14 : i32
    %mul3A_16 = arith.constant 4096 : i32
    %mul3A_17 = arith.muli %add3A_15, %mul3A_16 : i32
    %scan3A_18 = arith.constant 0 : i32
    %scan3A_19 = arith.constant 0 : i32
    %scan3A_20 = arith.constant 128 : i32
    %scan3A_21 = arith.addi %scan3A_19, %scan3A_20 : i32
    %scan3A_22 = arith.constant 1 : i32
    %scan3A_23 = scf.for %scan3A_84 = %scan3A_19 to %scan3A_21 step %scan3A_22 iter_args(%scan3A_85 = %scan3A_18) -> (i32)  : i32 {
      %mul3A_86 = arith.constant 4096 : i32
      %mul3A_87 = arith.muli %scan3A_84, %mul3A_86 : i32
      %add3A_88 = arith.addi %mul3A_17, %mul3A_87 : i32
      %get3A = arith.constant 0 : index
      %get3A_89 = tpu.vector_load %arg5[%get3A] {strides = array<i32>} : memref<128xi32, #tpu.memory_space<vmem>>, vector<16xi32>,
      %get3A_90 = vector.shape_cast %get3A_89 : vector<16xi32> to vector<16xi32>
      %add3A_91 = vector.broadcast %add3A_88 : i32 to vector<16xi32>
      %add3A_92 = arith.addi %get3A_90, %add3A_91 : vector<16xi32>
      %mul3A_93 = arith.constant 2 : i32
      %mul3A_94 = arith.muli %scan3A_84, %mul3A_93 : i32
      %mul3A_95 = arith.constant 64 : i32
      %mul3A_96 = arith.muli %mul3A_94, %mul3A_95 : i32
      %add3A_97 = arith.constant 0 : i32
      %add3A_98 = arith.addi %mul3A_96, %add3A_97 : i32
      %swap3A = arith.index_cast %add3A_98 : i32 to index
      %swap3A_99 = tpu.vector_load %arg7[%swap3A] {strides = array<i32>} : memref<16384xi32, #tpu.memory_space<vmem>>, vector<16xi32>,
      %swap3A_100 = vector.shape_cast %swap3A_99 : vector<16xi32> to vector<16xi32>
      %swap3A_101 = vector.shape_cast %add3A_92 : vector<16xi32> to vector<16xi32>
      tpu.vector_store %arg7[%swap3A], %swap3A_101 {strides = array<i32>} : memref<16384xi32, #tpu.memory_space<vmem>>, vector<16xi32>,
      %get3A_102 = arith.constant 16 : index
      %get3A_103 = tpu.vector_load %arg5[%get3A_102] {strides = array<i32>} : memref<128xi32, #tpu.memory_space<vmem>>, vector<16xi32>,
      %get3A_104 = vector.shape_cast %get3A_103 : vector<16xi32> to vector<16xi32>
      %add3A_105 = vector.broadcast %add3A_88 : i32 to vector<16xi32>
      %add3A_106 = arith.addi %get3A_104, %add3A_105 : vector<16xi32>
      %mul3A_107 = arith.constant 2 : i32
      %mul3A_108 = arith.muli %scan3A_84, %mul3A_107 : i32
      %mul3A_109 = arith.constant 64 : i32
      %mul3A_110 = arith.muli %mul3A_108, %mul3A_109 : i32
      %add3A_111 = arith.constant 16 : i32
      %add3A_112 = arith.addi %mul3A_110, %add3A_111 : i32
      %swap3A_113 = arith.index_cast %add3A_112 : i32 to index
      %swap3A_114 = tpu.vector_load %arg7[%swap3A_113] {strides = array<i32>} : memref<16384xi32, #tpu.memory_space<vmem>>, vector<16xi32>,
      %swap3A_115 = vector.shape_cast %swap3A_114 : vector<16xi32> to vector<16xi32>
      %swap3A_116 = vector.shape_cast %add3A_106 : vector<16xi32> to vector<16xi32>
      tpu.vector_store %arg7[%swap3A_113], %swap3A_116 {strides = array<i32>} : memref<16384xi32, #tpu.memory_space<vmem>>, vector<16xi32>,
      %get3A_117 = arith.constant 32 : index
      %get3A_118 = tpu.vector_load %arg5[%get3A_117] {strides = array<i32>} : memref<128xi32, #tpu.memory_space<vmem>>, vector<16xi32>,
      %get3A_119 = vector.shape_cast %get3A_118 : vector<16xi32> to vector<16xi32>
      %add3A_120 = vector.broadcast %add3A_88 : i32 to vector<16xi32>
      %add3A_121 = arith.addi %get3A_119, %add3A_120 : vector<16xi32>
      %mul3A_122 = arith.constant 2 : i32
      %mul3A_123 = arith.muli %scan3A_84, %mul3A_122 : i32
      %mul3A_124 = arith.constant 64 : i32
      %mul3A_125 = arith.muli %mul3A_123, %mul3A_124 : i32
      %add3A_126 = arith.constant 32 : i32
      %add3A_127 = arith.addi %mul3A_125, %add3A_126 : i32
      %swap3A_128 = arith.index_cast %add3A_127 : i32 to index
      %swap3A_129 = tpu.vector_load %arg7[%swap3A_128] {strides = array<i32>} : memref<16384xi32, #tpu.memory_space<vmem>>, vector<16xi32>,
      %swap3A_130 = vector.shape_cast %swap3A_129 : vector<16xi32> to vector<16xi32>
      %swap3A_131 = vector.shape_cast %add3A_121 : vector<16xi32> to vector<16xi32>
      tpu.vector_store %arg7[%swap3A_128], %swap3A_131 {strides = array<i32>} : memref<16384xi32, #tpu.memory_space<vmem>>, vector<16xi32>,
      %get3A_132 = arith.constant 48 : index
      %get3A_133 = tpu.vector_load %arg5[%get3A_132] {strides = array<i32>} : memref<128xi32, #tpu.memory_space<vmem>>, vector<16xi32>,
      %get3A_134 = vector.shape_cast %get3A_133 : vector<16xi32> to vector<16xi32>
      %add3A_135 = vector.broadcast %add3A_88 : i32 to vector<16xi32>
      %add3A_136 = arith.addi %get3A_134, %add3A_135 : vector<16xi32>
      %mul3A_137 = arith.constant 2 : i32
      %mul3A_138 = arith.muli %scan3A_84, %mul3A_137 : i32
      %mul3A_139 = arith.constant 64 : i32
      %mul3A_140 = arith.muli %mul3A_138, %mul3A_139 : i32
      %add3A_141 = arith.constant 48 : i32
      %add3A_142 = arith.addi %mul3A_140, %add3A_141 : i32
      %swap3A_143 = arith.index_cast %add3A_142 : i32 to index
      %swap3A_144 = tpu.vector_load %arg7[%swap3A_143] {strides = array<i32>} : memref<16384xi32, #tpu.memory_space<vmem>>, vector<16xi32>,
      %swap3A_145 = vector.shape_cast %swap3A_144 : vector<16xi32> to vector<16xi32>
      %swap3A_146 = vector.shape_cast %add3A_136 : vector<16xi32> to vector<16xi32>
      tpu.vector_store %arg7[%swap3A_143], %swap3A_146 {strides = array<i32>} : memref<16384xi32, #tpu.memory_space<vmem>>, vector<16xi32>,
      %get3A_147 = arith.constant 64 : index
      %get3A_148 = tpu.vector_load %arg5[%get3A_147] {strides = array<i32>} : memref<128xi32, #tpu.memory_space<vmem>>, vector<16xi32>,
      %get3A_149 = vector.shape_cast %get3A_148 : vector<16xi32> to vector<16xi32>
      %add3A_150 = vector.broadcast %add3A_88 : i32 to vector<16xi32>
      %add3A_151 = arith.addi %get3A_149, %add3A_150 : vector<16xi32>
      %mul3A_152 = arith.constant 2 : i32
      %mul3A_153 = arith.muli %scan3A_84, %mul3A_152 : i32
      %mul3A_154 = arith.constant 64 : i32
      %mul3A_155 = arith.muli %mul3A_153, %mul3A_154 : i32
      %add3A_156 = arith.constant 64 : i32
      %add3A_157 = arith.addi %mul3A_155, %add3A_156 : i32
      %swap3A_158 = arith.index_cast %add3A_157 : i32 to index
      %swap3A_159 = tpu.vector_load %arg7[%swap3A_158] {strides = array<i32>} : memref<16384xi32, #tpu.memory_space<vmem>>, vector<16xi32>,
      %swap3A_160 = vector.shape_cast %swap3A_159 : vector<16xi32> to vector<16xi32>
      %swap3A_161 = vector.shape_cast %add3A_151 : vector<16xi32> to vector<16xi32>
      tpu.vector_store %arg7[%swap3A_158], %swap3A_161 {strides = array<i32>} : memref<16384xi32, #tpu.memory_space<vmem>>, vector<16xi32>,
      %get3A_162 = arith.constant 80 : index
      %get3A_163 = tpu.vector_load %arg5[%get3A_162] {strides = array<i32>} : memref<128xi32, #tpu.memory_space<vmem>>, vector<16xi32>,
      %get3A_164 = vector.shape_cast %get3A_163 : vector<16xi32> to vector<16xi32>
      %add3A_165 = vector.broadcast %add3A_88 : i32 to vector<16xi32>
      %add3A_166 = arith.addi %get3A_164, %add3A_165 : vector<16xi32>
      %mul3A_167 = arith.constant 2 : i32
      %mul3A_168 = arith.muli %scan3A_84, %mul3A_167 : i32
      %mul3A_169 = arith.constant 64 : i32
      %mul3A_170 = arith.muli %mul3A_168, %mul3A_169 : i32
      %add3A_171 = arith.constant 80 : i32
      %add3A_172 = arith.addi %mul3A_170, %add3A_171 : i32
      %swap3A_173 = arith.index_cast %add3A_172 : i32 to index
      %swap3A_174 = tpu.vector_load %arg7[%swap3A_173] {strides = array<i32>} : memref<16384xi32, #tpu.memory_space<vmem>>, vector<16xi32>,
      %swap3A_175 = vector.shape_cast %swap3A_174 : vector<16xi32> to vector<16xi32>
      %swap3A_176 = vector.shape_cast %add3A_166 : vector<16xi32> to vector<16xi32>
      tpu.vector_store %arg7[%swap3A_173], %swap3A_176 {strides = array<i32>} : memref<16384xi32, #tpu.memory_space<vmem>>, vector<16xi32>,
      %get3A_177 = arith.constant 96 : index
      %get3A_178 = tpu.vector_load %arg5[%get3A_177] {strides = array<i32>} : memref<128xi32, #tpu.memory_space<vmem>>, vector<16xi32>,
      %get3A_179 = vector.shape_cast %get3A_178 : vector<16xi32> to vector<16xi32>
      %add3A_180 = vector.broadcast %add3A_88 : i32 to vector<16xi32>
      %add3A_181 = arith.addi %get3A_179, %add3A_180 : vector<16xi32>
      %mul3A_182 = arith.constant 2 : i32
      %mul3A_183 = arith.muli %scan3A_84, %mul3A_182 : i32
      %mul3A_184 = arith.constant 64 : i32
      %mul3A_185 = arith.muli %mul3A_183, %mul3A_184 : i32
      %add3A_186 = arith.constant 96 : i32
      %add3A_187 = arith.addi %mul3A_185, %add3A_186 : i32
      %swap3A_188 = arith.index_cast %add3A_187 : i32 to index
      %swap3A_189 = tpu.vector_load %arg7[%swap3A_188] {strides = array<i32>} : memref<16384xi32, #tpu.memory_space<vmem>>, vector<16xi32>,
      %swap3A_190 = vector.shape_cast %swap3A_189 : vector<16xi32> to vector<16xi32>
      %swap3A_191 = vector.shape_cast %add3A_181 : vector<16xi32> to vector<16xi32>
      tpu.vector_store %arg7[%swap3A_188], %swap3A_191 {strides = array<i32>} : memref<16384xi32, #tpu.memory_space<vmem>>, vector<16xi32>,
      %get3A_192 = arith.constant 112 : index
      %get3A_193 = tpu.vector_load %arg5[%get3A_192] {strides = array<i32>} : memref<128xi32, #tpu.memory_space<vmem>>, vector<16xi32>,
      %get3A_194 = vector.shape_cast %get3A_193 : vector<16xi32> to vector<16xi32>
      %add3A_195 = vector.broadcast %add3A_88 : i32 to vector<16xi32>
      %add3A_196 = arith.addi %get3A_194, %add3A_195 : vector<16xi32>
      %mul3A_197 = arith.constant 2 : i32
      %mul3A_198 = arith.muli %scan3A_84, %mul3A_197 : i32
      %mul3A_199 = arith.constant 64 : i32
      %mul3A_200 = arith.muli %mul3A_198, %mul3A_199 : i32
      %add3A_201 = arith.constant 112 : i32
      %add3A_202 = arith.addi %mul3A_200, %add3A_201 : i32
      %swap3A_203 = arith.index_cast %add3A_202 : i32 to index
      %swap3A_204 = tpu.vector_load %arg7[%swap3A_203] {strides = array<i32>} : memref<16384xi32, #tpu.memory_space<vmem>>, vector<16xi32>,
      %swap3A_205 = vector.shape_cast %swap3A_204 : vector<16xi32> to vector<16xi32>
      %swap3A_206 = vector.shape_cast %add3A_196 : vector<16xi32> to vector<16xi32>
      tpu.vector_store %arg7[%swap3A_203], %swap3A_206 {strides = array<i32>} : memref<16384xi32, #tpu.memory_space<vmem>>, vector<16xi32>,
      %scan3A_207 = arith.constant 0 : i32
      scf.yield %scan3A_207 : i32
    }
    %scan3A_24 = arith.constant 128 : i32
    %dma_start3A_25 = arith.constant 0 : i32
    %dma_start3A_26 = tpu.memref_slice %arg2[%dma_start3A_25] : memref<67108864xf32, #tpu.memory_space<hbm>> -> memref<67108864xf32, #tpu.memory_space<hbm>>
    tpu.enqueue_indirect_dma source(%dma_start3A_26 : memref<67108864xf32, #tpu.memory_space<hbm>>) target(%arg9 : memref<16384xf32, #tpu.memory_space<vmem>>) offsets(%arg7 : memref<16384xi32, #tpu.memory_space<vmem>>) semaphore(%arg11 : memref<!tpu.dma_semaphore, #tpu.memory_space<semaphore_mem>>)
    %dma_wait3A = arith.constant 0 : i32
    %dma_wait3A_27 = tpu.memref_slice %arg2[%dma_wait3A] : memref<67108864xf32, #tpu.memory_space<hbm>> -> memref<67108864xf32, #tpu.memory_space<hbm>>
    tpu.wait_indirect_dma semaphore(%arg10 : memref<!tpu.dma_semaphore, #tpu.memory_space<semaphore_mem>>) src(%dma_wait3A_27 : memref<67108864xf32, #tpu.memory_space<hbm>>) dst(%arg8 : memref<16384xf32, #tpu.memory_space<vmem>>)
    %add3A_28 = arith.constant 0 : i32
    %add3A_29 = arith.addi %mul3A_2, %add3A_28 : i32
    %mul3A_30 = arith.constant 2 : i32
    %mul3A_31 = arith.muli %add3A_29, %mul3A_30 : i32
    %mul3A_32 = arith.constant 64 : i32
    %mul3A_33 = arith.muli %mul3A_31, %mul3A_32 : i32
    "tpu.region"() ({
      %run_scoped3A = tpu.sem_alloc : memref<!tpu.dma_semaphore, #tpu.memory_space<semaphore_mem>>
      %dma_start3A_84 = tpu.memref_slice %arg4[%mul3A_33] : memref<2097152xf32, #tpu.memory_space<hbm>> -> memref<16384xf32, #tpu.memory_space<hbm>>
      %dma_start3A_85 = tpu.memref_slice %arg4[%mul3A_33] : memref<2097152xf32, #tpu.memory_space<hbm>> -> memref<16384xf32, #tpu.memory_space<hbm>>
      tpu.enqueue_dma source(%arg8 : memref<16384xf32, #tpu.memory_space<vmem>>) target(%dma_start3A_85 : memref<16384xf32, #tpu.memory_space<hbm>>) target_semaphore(%run_scoped3A : memref<!tpu.dma_semaphore, #tpu.memory_space<semaphore_mem>>)
      %dma_wait3A_86 = tpu.memref_slice %arg4[%mul3A_33] : memref<2097152xf32, #tpu.memory_space<hbm>> -> memref<16384xf32, #tpu.memory_space<hbm>>
      %dma_wait3A_87 = tpu.memref_slice %arg4[%mul3A_33] : memref<2097152xf32, #tpu.memory_space<hbm>> -> memref<16384xf32, #tpu.memory_space<hbm>>
      tpu.wait_dma2 semaphore(%run_scoped3A : memref<!tpu.dma_semaphore, #tpu.memory_space<semaphore_mem>>) src(%arg8 : memref<16384xf32, #tpu.memory_space<vmem>>) dst(%dma_wait3A_87 : memref<16384xf32, #tpu.memory_space<hbm>>)
      tpu.yield
    }) : () -> ()
    %add3A_34 = arith.constant 256 : i32
    %add3A_35 = arith.addi %mul3A_2, %add3A_34 : i32
    %mul3A_36 = arith.constant 4096 : i32
    %mul3A_37 = arith.muli %add3A_35, %mul3A_36 : i32
    %scan3A_38 = arith.constant 0 : i32
    %scan3A_39 = arith.constant 0 : i32
    %scan3A_40 = arith.constant 128 : i32
    %scan3A_41 = arith.addi %scan3A_39, %scan3A_40 : i32
    %scan3A_42 = arith.constant 1 : i32
    %scan3A_43 = scf.for %scan3A_84 = %scan3A_39 to %scan3A_41 step %scan3A_42 iter_args(%scan3A_85 = %scan3A_38) -> (i32)  : i32 {
      %mul3A_86 = arith.constant 4096 : i32
      %mul3A_87 = arith.muli %scan3A_84, %mul3A_86 : i32
      %add3A_88 = arith.addi %mul3A_37, %mul3A_87 : i32
      %get3A = arith.constant 0 : index
      %get3A_89 = tpu.vector_load %arg5[%get3A] {strides = array<i32>} : memref<128xi32, #tpu.memory_space<vmem>>, vector<16xi32>,
      %get3A_90 = vector.shape_cast %get3A_89 : vector<16xi32> to vector<16xi32>
      %add3A_91 = vector.broadcast %add3A_88 : i32 to vector<16xi32>
      %add3A_92 = arith.addi %get3A_90, %add3A_91 : vector<16xi32>
      %mul3A_93 = arith.constant 2 : i32
      %mul3A_94 = arith.muli %scan3A_84, %mul3A_93 : i32
      %mul3A_95 = arith.constant 64 : i32
      %mul3A_96 = arith.muli %mul3A_94, %mul3A_95 : i32
      %add3A_97 = arith.constant 0 : i32
      %add3A_98 = arith.addi %mul3A_96, %add3A_97 : i32
      %swap3A = arith.index_cast %add3A_98 : i32 to index
      %swap3A_99 = tpu.vector_load %arg6[%swap3A] {strides = array<i32>} : memref<16384xi32, #tpu.memory_space<vmem>>, vector<16xi32>,
      %swap3A_100 = vector.shape_cast %swap3A_99 : vector<16xi32> to vector<16xi32>
      %swap3A_101 = vector.shape_cast %add3A_92 : vector<16xi32> to vector<16xi32>
      tpu.vector_store %arg6[%swap3A], %swap3A_101 {strides = array<i32>} : memref<16384xi32, #tpu.memory_space<vmem>>, vector<16xi32>,
      %get3A_102 = arith.constant 16 : index
      %get3A_103 = tpu.vector_load %arg5[%get3A_102] {strides = array<i32>} : memref<128xi32, #tpu.memory_space<vmem>>, vector<16xi32>,
      %get3A_104 = vector.shape_cast %get3A_103 : vector<16xi32> to vector<16xi32>
      %add3A_105 = vector.broadcast %add3A_88 : i32 to vector<16xi32>
      %add3A_106 = arith.addi %get3A_104, %add3A_105 : vector<16xi32>
      %mul3A_107 = arith.constant 2 : i32
      %mul3A_108 = arith.muli %scan3A_84, %mul3A_107 : i32
      %mul3A_109 = arith.constant 64 : i32
      %mul3A_110 = arith.muli %mul3A_108, %mul3A_109 : i32
      %add3A_111 = arith.constant 16 : i32
      %add3A_112 = arith.addi %mul3A_110, %add3A_111 : i32
      %swap3A_113 = arith.index_cast %add3A_112 : i32 to index
      %swap3A_114 = tpu.vector_load %arg6[%swap3A_113] {strides = array<i32>} : memref<16384xi32, #tpu.memory_space<vmem>>, vector<16xi32>,
      %swap3A_115 = vector.shape_cast %swap3A_114 : vector<16xi32> to vector<16xi32>
      %swap3A_116 = vector.shape_cast %add3A_106 : vector<16xi32> to vector<16xi32>
      tpu.vector_store %arg6[%swap3A_113], %swap3A_116 {strides = array<i32>} : memref<16384xi32, #tpu.memory_space<vmem>>, vector<16xi32>,
      %get3A_117 = arith.constant 32 : index
      %get3A_118 = tpu.vector_load %arg5[%get3A_117] {strides = array<i32>} : memref<128xi32, #tpu.memory_space<vmem>>, vector<16xi32>,
      %get3A_119 = vector.shape_cast %get3A_118 : vector<16xi32> to vector<16xi32>
      %add3A_120 = vector.broadcast %add3A_88 : i32 to vector<16xi32>
      %add3A_121 = arith.addi %get3A_119, %add3A_120 : vector<16xi32>
      %mul3A_122 = arith.constant 2 : i32
      %mul3A_123 = arith.muli %scan3A_84, %mul3A_122 : i32
      %mul3A_124 = arith.constant 64 : i32
      %mul3A_125 = arith.muli %mul3A_123, %mul3A_124 : i32
      %add3A_126 = arith.constant 32 : i32
      %add3A_127 = arith.addi %mul3A_125, %add3A_126 : i32
      %swap3A_128 = arith.index_cast %add3A_127 : i32 to index
      %swap3A_129 = tpu.vector_load %arg6[%swap3A_128] {strides = array<i32>} : memref<16384xi32, #tpu.memory_space<vmem>>, vector<16xi32>,
      %swap3A_130 = vector.shape_cast %swap3A_129 : vector<16xi32> to vector<16xi32>
      %swap3A_131 = vector.shape_cast %add3A_121 : vector<16xi32> to vector<16xi32>
      tpu.vector_store %arg6[%swap3A_128], %swap3A_131 {strides = array<i32>} : memref<16384xi32, #tpu.memory_space<vmem>>, vector<16xi32>,
      %get3A_132 = arith.constant 48 : index
      %get3A_133 = tpu.vector_load %arg5[%get3A_132] {strides = array<i32>} : memref<128xi32, #tpu.memory_space<vmem>>, vector<16xi32>,
      %get3A_134 = vector.shape_cast %get3A_133 : vector<16xi32> to vector<16xi32>
      %add3A_135 = vector.broadcast %add3A_88 : i32 to vector<16xi32>
      %add3A_136 = arith.addi %get3A_134, %add3A_135 : vector<16xi32>
      %mul3A_137 = arith.constant 2 : i32
      %mul3A_138 = arith.muli %scan3A_84, %mul3A_137 : i32
      %mul3A_139 = arith.constant 64 : i32
      %mul3A_140 = arith.muli %mul3A_138, %mul3A_139 : i32
      %add3A_141 = arith.constant 48 : i32
      %add3A_142 = arith.addi %mul3A_140, %add3A_141 : i32
      %swap3A_143 = arith.index_cast %add3A_142 : i32 to index
      %swap3A_144 = tpu.vector_load %arg6[%swap3A_143] {strides = array<i32>} : memref<16384xi32, #tpu.memory_space<vmem>>, vector<16xi32>,
      %swap3A_145 = vector.shape_cast %swap3A_144 : vector<16xi32> to vector<16xi32>
      %swap3A_146 = vector.shape_cast %add3A_136 : vector<16xi32> to vector<16xi32>
      tpu.vector_store %arg6[%swap3A_143], %swap3A_146 {strides = array<i32>} : memref<16384xi32, #tpu.memory_space<vmem>>, vector<16xi32>,
      %get3A_147 = arith.constant 64 : index
      %get3A_148 = tpu.vector_load %arg5[%get3A_147] {strides = array<i32>} : memref<128xi32, #tpu.memory_space<vmem>>, vector<16xi32>,
      %get3A_149 = vector.shape_cast %get3A_148 : vector<16xi32> to vector<16xi32>
      %add3A_150 = vector.broadcast %add3A_88 : i32 to vector<16xi32>
      %add3A_151 = arith.addi %get3A_149, %add3A_150 : vector<16xi32>
      %mul3A_152 = arith.constant 2 : i32
      %mul3A_153 = arith.muli %scan3A_84, %mul3A_152 : i32
      %mul3A_154 = arith.constant 64 : i32
      %mul3A_155 = arith.muli %mul3A_153, %mul3A_154 : i32
      %add3A_156 = arith.constant 64 : i32
      %add3A_157 = arith.addi %mul3A_155, %add3A_156 : i32
      %swap3A_158 = arith.index_cast %add3A_157 : i32 to index
      %swap3A_159 = tpu.vector_load %arg6[%swap3A_158] {strides = array<i32>} : memref<16384xi32, #tpu.memory_space<vmem>>, vector<16xi32>,
      %swap3A_160 = vector.shape_cast %swap3A_159 : vector<16xi32> to vector<16xi32>
      %swap3A_161 = vector.shape_cast %add3A_151 : vector<16xi32> to vector<16xi32>
      tpu.vector_store %arg6[%swap3A_158], %swap3A_161 {strides = array<i32>} : memref<16384xi32, #tpu.memory_space<vmem>>, vector<16xi32>,
      %get3A_162 = arith.constant 80 : index
      %get3A_163 = tpu.vector_load %arg5[%get3A_162] {strides = array<i32>} : memref<128xi32, #tpu.memory_space<vmem>>, vector<16xi32>,
      %get3A_164 = vector.shape_cast %get3A_163 : vector<16xi32> to vector<16xi32>
      %add3A_165 = vector.broadcast %add3A_88 : i32 to vector<16xi32>
      %add3A_166 = arith.addi %get3A_164, %add3A_165 : vector<16xi32>
      %mul3A_167 = arith.constant 2 : i32
      %mul3A_168 = arith.muli %scan3A_84, %mul3A_167 : i32
      %mul3A_169 = arith.constant 64 : i32
      %mul3A_170 = arith.muli %mul3A_168, %mul3A_169 : i32
      %add3A_171 = arith.constant 80 : i32
      %add3A_172 = arith.addi %mul3A_170, %add3A_171 : i32
      %swap3A_173 = arith.index_cast %add3A_172 : i32 to index
      %swap3A_174 = tpu.vector_load %arg6[%swap3A_173] {strides = array<i32>} : memref<16384xi32, #tpu.memory_space<vmem>>, vector<16xi32>,
      %swap3A_175 = vector.shape_cast %swap3A_174 : vector<16xi32> to vector<16xi32>
      %swap3A_176 = vector.shape_cast %add3A_166 : vector<16xi32> to vector<16xi32>
      tpu.vector_store %arg6[%swap3A_173], %swap3A_176 {strides = array<i32>} : memref<16384xi32, #tpu.memory_space<vmem>>, vector<16xi32>,
      %get3A_177 = arith.constant 96 : index
      %get3A_178 = tpu.vector_load %arg5[%get3A_177] {strides = array<i32>} : memref<128xi32, #tpu.memory_space<vmem>>, vector<16xi32>,
      %get3A_179 = vector.shape_cast %get3A_178 : vector<16xi32> to vector<16xi32>
      %add3A_180 = vector.broadcast %add3A_88 : i32 to vector<16xi32>
      %add3A_181 = arith.addi %get3A_179, %add3A_180 : vector<16xi32>
      %mul3A_182 = arith.constant 2 : i32
      %mul3A_183 = arith.muli %scan3A_84, %mul3A_182 : i32
      %mul3A_184 = arith.constant 64 : i32
      %mul3A_185 = arith.muli %mul3A_183, %mul3A_184 : i32
      %add3A_186 = arith.constant 96 : i32
      %add3A_187 = arith.addi %mul3A_185, %add3A_186 : i32
      %swap3A_188 = arith.index_cast %add3A_187 : i32 to index
      %swap3A_189 = tpu.vector_load %arg6[%swap3A_188] {strides = array<i32>} : memref<16384xi32, #tpu.memory_space<vmem>>, vector<16xi32>,
      %swap3A_190 = vector.shape_cast %swap3A_189 : vector<16xi32> to vector<16xi32>
      %swap3A_191 = vector.shape_cast %add3A_181 : vector<16xi32> to vector<16xi32>
      tpu.vector_store %arg6[%swap3A_188], %swap3A_191 {strides = array<i32>} : memref<16384xi32, #tpu.memory_space<vmem>>, vector<16xi32>,
      %get3A_192 = arith.constant 112 : index
      %get3A_193 = tpu.vector_load %arg5[%get3A_192] {strides = array<i32>} : memref<128xi32, #tpu.memory_space<vmem>>, vector<16xi32>,
      %get3A_194 = vector.shape_cast %get3A_193 : vector<16xi32> to vector<16xi32>
      %add3A_195 = vector.broadcast %add3A_88 : i32 to vector<16xi32>
      %add3A_196 = arith.addi %get3A_194, %add3A_195 : vector<16xi32>
      %mul3A_197 = arith.constant 2 : i32
      %mul3A_198 = arith.muli %scan3A_84, %mul3A_197 : i32
      %mul3A_199 = arith.constant 64 : i32
      %mul3A_200 = arith.muli %mul3A_198, %mul3A_199 : i32
      %add3A_201 = arith.constant 112 : i32
      %add3A_202 = arith.addi %mul3A_200, %add3A_201 : i32
      %swap3A_203 = arith.index_cast %add3A_202 : i32 to index
      %swap3A_204 = tpu.vector_load %arg6[%swap3A_203] {strides = array<i32>} : memref<16384xi32, #tpu.memory_space<vmem>>, vector<16xi32>,
      %swap3A_205 = vector.shape_cast %swap3A_204 : vector<16xi32> to vector<16xi32>
      %swap3A_206 = vector.shape_cast %add3A_196 : vector<16xi32> to vector<16xi32>
      tpu.vector_store %arg6[%swap3A_203], %swap3A_206 {strides = array<i32>} : memref<16384xi32, #tpu.memory_space<vmem>>, vector<16xi32>,
      %scan3A_207 = arith.constant 0 : i32
      scf.yield %scan3A_207 : i32
    }
    %scan3A_44 = arith.constant 128 : i32
    %dma_start3A_45 = arith.constant 0 : i32
    %dma_start3A_46 = tpu.memref_slice %arg2[%dma_start3A_45] : memref<67108864xf32, #tpu.memory_space<hbm>> -> memref<67108864xf32, #tpu.memory_space<hbm>>
    tpu.enqueue_indirect_dma source(%dma_start3A_46 : memref<67108864xf32, #tpu.memory_space<hbm>>) target(%arg8 : memref<16384xf32, #tpu.memory_space<vmem>>) offsets(%arg6 : memref<16384xi32, #tpu.memory_space<vmem>>) semaphore(%arg10 : memref<!tpu.dma_semaphore, #tpu.memory_space<semaphore_mem>>)
    %dma_wait3A_47 = arith.constant 0 : i32
    %dma_wait3A_48 = tpu.memref_slice %arg2[%dma_wait3A_47] : memref<67108864xf32, #tpu.memory_space<hbm>> -> memref<67108864xf32, #tpu.memory_space<hbm>>
    tpu.wait_indirect_dma semaphore(%arg11 : memref<!tpu.dma_semaphore, #tpu.memory_space<semaphore_mem>>) src(%dma_wait3A_48 : memref<67108864xf32, #tpu.memory_space<hbm>>) dst(%arg9 : memref<16384xf32, #tpu.memory_space<vmem>>)
    %add3A_49 = arith.constant 128 : i32
    %add3A_50 = arith.addi %mul3A_2, %add3A_49 : i32
    %mul3A_51 = arith.constant 2 : i32
    %mul3A_52 = arith.muli %add3A_50, %mul3A_51 : i32
    %mul3A_53 = arith.constant 64 : i32
    %mul3A_54 = arith.muli %mul3A_52, %mul3A_53 : i32
    "tpu.region"() ({
      %run_scoped3A = tpu.sem_alloc : memref<!tpu.dma_semaphore, #tpu.memory_space<semaphore_mem>>
      %dma_start3A_84 = tpu.memref_slice %arg4[%mul3A_54] : memref<2097152xf32, #tpu.memory_space<hbm>> -> memref<16384xf32, #tpu.memory_space<hbm>>
      %dma_start3A_85 = tpu.memref_slice %arg4[%mul3A_54] : memref<2097152xf32, #tpu.memory_space<hbm>> -> memref<16384xf32, #tpu.memory_space<hbm>>
      tpu.enqueue_dma source(%arg9 : memref<16384xf32, #tpu.memory_space<vmem>>) target(%dma_start3A_85 : memref<16384xf32, #tpu.memory_space<hbm>>) target_semaphore(%run_scoped3A : memref<!tpu.dma_semaphore, #tpu.memory_space<semaphore_mem>>)
      %dma_wait3A_86 = tpu.memref_slice %arg4[%mul3A_54] : memref<2097152xf32, #tpu.memory_space<hbm>> -> memref<16384xf32, #tpu.memory_space<hbm>>
      %dma_wait3A_87 = tpu.memref_slice %arg4[%mul3A_54] : memref<2097152xf32, #tpu.memory_space<hbm>> -> memref<16384xf32, #tpu.memory_space<hbm>>
      tpu.wait_dma2 semaphore(%run_scoped3A : memref<!tpu.dma_semaphore, #tpu.memory_space<semaphore_mem>>) src(%arg9 : memref<16384xf32, #tpu.memory_space<vmem>>) dst(%dma_wait3A_87 : memref<16384xf32, #tpu.memory_space<hbm>>)
      tpu.yield
    }) : () -> ()
    %add3A_55 = arith.constant 384 : i32
    %add3A_56 = arith.addi %mul3A_2, %add3A_55 : i32
    %mul3A_57 = arith.constant 4096 : i32
    %mul3A_58 = arith.muli %add3A_56, %mul3A_57 : i32
    %scan3A_59 = arith.constant 0 : i32
    %scan3A_60 = arith.constant 0 : i32
    %scan3A_61 = arith.constant 128 : i32
    %scan3A_62 = arith.addi %scan3A_60, %scan3A_61 : i32
    %scan3A_63 = arith.constant 1 : i32
    %scan3A_64 = scf.for %scan3A_84 = %scan3A_60 to %scan3A_62 step %scan3A_63 iter_args(%scan3A_85 = %scan3A_59) -> (i32)  : i32 {
      %mul3A_86 = arith.constant 4096 : i32
      %mul3A_87 = arith.muli %scan3A_84, %mul3A_86 : i32
      %add3A_88 = arith.addi %mul3A_58, %mul3A_87 : i32
      %get3A = arith.constant 0 : index
      %get3A_89 = tpu.vector_load %arg5[%get3A] {strides = array<i32>} : memref<128xi32, #tpu.memory_space<vmem>>, vector<16xi32>,
      %get3A_90 = vector.shape_cast %get3A_89 : vector<16xi32> to vector<16xi32>
      %add3A_91 = vector.broadcast %add3A_88 : i32 to vector<16xi32>
      %add3A_92 = arith.addi %get3A_90, %add3A_91 : vector<16xi32>
      %mul3A_93 = arith.constant 2 : i32
      %mul3A_94 = arith.muli %scan3A_84, %mul3A_93 : i32
      %mul3A_95 = arith.constant 64 : i32
      %mul3A_96 = arith.muli %mul3A_94, %mul3A_95 : i32
      %add3A_97 = arith.constant 0 : i32
      %add3A_98 = arith.addi %mul3A_96, %add3A_97 : i32
      %swap3A = arith.index_cast %add3A_98 : i32 to index
      %swap3A_99 = tpu.vector_load %arg7[%swap3A] {strides = array<i32>} : memref<16384xi32, #tpu.memory_space<vmem>>, vector<16xi32>,
      %swap3A_100 = vector.shape_cast %swap3A_99 : vector<16xi32> to vector<16xi32>
      %swap3A_101 = vector.shape_cast %add3A_92 : vector<16xi32> to vector<16xi32>
      tpu.vector_store %arg7[%swap3A], %swap3A_101 {strides = array<i32>} : memref<16384xi32, #tpu.memory_space<vmem>>, vector<16xi32>,
      %get3A_102 = arith.constant 16 : index
      %get3A_103 = tpu.vector_load %arg5[%get3A_102] {strides = array<i32>} : memref<128xi32, #tpu.memory_space<vmem>>, vector<16xi32>,
      %get3A_104 = vector.shape_cast %get3A_103 : vector<16xi32> to vector<16xi32>
      %add3A_105 = vector.broadcast %add3A_88 : i32 to vector<16xi32>
      %add3A_106 = arith.addi %get3A_104, %add3A_105 : vector<16xi32>
      %mul3A_107 = arith.constant 2 : i32
      %mul3A_108 = arith.muli %scan3A_84, %mul3A_107 : i32
      %mul3A_109 = arith.constant 64 : i32
      %mul3A_110 = arith.muli %mul3A_108, %mul3A_109 : i32
      %add3A_111 = arith.constant 16 : i32
      %add3A_112 = arith.addi %mul3A_110, %add3A_111 : i32
      %swap3A_113 = arith.index_cast %add3A_112 : i32 to index
      %swap3A_114 = tpu.vector_load %arg7[%swap3A_113] {strides = array<i32>} : memref<16384xi32, #tpu.memory_space<vmem>>, vector<16xi32>,
      %swap3A_115 = vector.shape_cast %swap3A_114 : vector<16xi32> to vector<16xi32>
      %swap3A_116 = vector.shape_cast %add3A_106 : vector<16xi32> to vector<16xi32>
      tpu.vector_store %arg7[%swap3A_113], %swap3A_116 {strides = array<i32>} : memref<16384xi32, #tpu.memory_space<vmem>>, vector<16xi32>,
      %get3A_117 = arith.constant 32 : index
      %get3A_118 = tpu.vector_load %arg5[%get3A_117] {strides = array<i32>} : memref<128xi32, #tpu.memory_space<vmem>>, vector<16xi32>,
      %get3A_119 = vector.shape_cast %get3A_118 : vector<16xi32> to vector<16xi32>
      %add3A_120 = vector.broadcast %add3A_88 : i32 to vector<16xi32>
      %add3A_121 = arith.addi %get3A_119, %add3A_120 : vector<16xi32>
      %mul3A_122 = arith.constant 2 : i32
      %mul3A_123 = arith.muli %scan3A_84, %mul3A_122 : i32
      %mul3A_124 = arith.constant 64 : i32
      %mul3A_125 = arith.muli %mul3A_123, %mul3A_124 : i32
      %add3A_126 = arith.constant 32 : i32
      %add3A_127 = arith.addi %mul3A_125, %add3A_126 : i32
      %swap3A_128 = arith.index_cast %add3A_127 : i32 to index
      %swap3A_129 = tpu.vector_load %arg7[%swap3A_128] {strides = array<i32>} : memref<16384xi32, #tpu.memory_space<vmem>>, vector<16xi32>,
      %swap3A_130 = vector.shape_cast %swap3A_129 : vector<16xi32> to vector<16xi32>
      %swap3A_131 = vector.shape_cast %add3A_121 : vector<16xi32> to vector<16xi32>
      tpu.vector_store %arg7[%swap3A_128], %swap3A_131 {strides = array<i32>} : memref<16384xi32, #tpu.memory_space<vmem>>, vector<16xi32>,
      %get3A_132 = arith.constant 48 : index
      %get3A_133 = tpu.vector_load %arg5[%get3A_132] {strides = array<i32>} : memref<128xi32, #tpu.memory_space<vmem>>, vector<16xi32>,
      %get3A_134 = vector.shape_cast %get3A_133 : vector<16xi32> to vector<16xi32>
      %add3A_135 = vector.broadcast %add3A_88 : i32 to vector<16xi32>
      %add3A_136 = arith.addi %get3A_134, %add3A_135 : vector<16xi32>
      %mul3A_137 = arith.constant 2 : i32
      %mul3A_138 = arith.muli %scan3A_84, %mul3A_137 : i32
      %mul3A_139 = arith.constant 64 : i32
      %mul3A_140 = arith.muli %mul3A_138, %mul3A_139 : i32
      %add3A_141 = arith.constant 48 : i32
      %add3A_142 = arith.addi %mul3A_140, %add3A_141 : i32
      %swap3A_143 = arith.index_cast %add3A_142 : i32 to index
      %swap3A_144 = tpu.vector_load %arg7[%swap3A_143] {strides = array<i32>} : memref<16384xi32, #tpu.memory_space<vmem>>, vector<16xi32>,
      %swap3A_145 = vector.shape_cast %swap3A_144 : vector<16xi32> to vector<16xi32>
      %swap3A_146 = vector.shape_cast %add3A_136 : vector<16xi32> to vector<16xi32>
      tpu.vector_store %arg7[%swap3A_143], %swap3A_146 {strides = array<i32>} : memref<16384xi32, #tpu.memory_space<vmem>>, vector<16xi32>,
      %get3A_147 = arith.constant 64 : index
      %get3A_148 = tpu.vector_load %arg5[%get3A_147] {strides = array<i32>} : memref<128xi32, #tpu.memory_space<vmem>>, vector<16xi32>,
      %get3A_149 = vector.shape_cast %get3A_148 : vector<16xi32> to vector<16xi32>
      %add3A_150 = vector.broadcast %add3A_88 : i32 to vector<16xi32>
      %add3A_151 = arith.addi %get3A_149, %add3A_150 : vector<16xi32>
      %mul3A_152 = arith.constant 2 : i32
      %mul3A_153 = arith.muli %scan3A_84, %mul3A_152 : i32
      %mul3A_154 = arith.constant 64 : i32
      %mul3A_155 = arith.muli %mul3A_153, %mul3A_154 : i32
      %add3A_156 = arith.constant 64 : i32
      %add3A_157 = arith.addi %mul3A_155, %add3A_156 : i32
      %swap3A_158 = arith.index_cast %add3A_157 : i32 to index
      %swap3A_159 = tpu.vector_load %arg7[%swap3A_158] {strides = array<i32>} : memref<16384xi32, #tpu.memory_space<vmem>>, vector<16xi32>,
      %swap3A_160 = vector.shape_cast %swap3A_159 : vector<16xi32> to vector<16xi32>
      %swap3A_161 = vector.shape_cast %add3A_151 : vector<16xi32> to vector<16xi32>
      tpu.vector_store %arg7[%swap3A_158], %swap3A_161 {strides = array<i32>} : memref<16384xi32, #tpu.memory_space<vmem>>, vector<16xi32>,
      %get3A_162 = arith.constant 80 : index
      %get3A_163 = tpu.vector_load %arg5[%get3A_162] {strides = array<i32>} : memref<128xi32, #tpu.memory_space<vmem>>, vector<16xi32>,
      %get3A_164 = vector.shape_cast %get3A_163 : vector<16xi32> to vector<16xi32>
      %add3A_165 = vector.broadcast %add3A_88 : i32 to vector<16xi32>
      %add3A_166 = arith.addi %get3A_164, %add3A_165 : vector<16xi32>
      %mul3A_167 = arith.constant 2 : i32
      %mul3A_168 = arith.muli %scan3A_84, %mul3A_167 : i32
      %mul3A_169 = arith.constant 64 : i32
      %mul3A_170 = arith.muli %mul3A_168, %mul3A_169 : i32
      %add3A_171 = arith.constant 80 : i32
      %add3A_172 = arith.addi %mul3A_170, %add3A_171 : i32
      %swap3A_173 = arith.index_cast %add3A_172 : i32 to index
      %swap3A_174 = tpu.vector_load %arg7[%swap3A_173] {strides = array<i32>} : memref<16384xi32, #tpu.memory_space<vmem>>, vector<16xi32>,
      %swap3A_175 = vector.shape_cast %swap3A_174 : vector<16xi32> to vector<16xi32>
      %swap3A_176 = vector.shape_cast %add3A_166 : vector<16xi32> to vector<16xi32>
      tpu.vector_store %arg7[%swap3A_173], %swap3A_176 {strides = array<i32>} : memref<16384xi32, #tpu.memory_space<vmem>>, vector<16xi32>,
      %get3A_177 = arith.constant 96 : index
      %get3A_178 = tpu.vector_load %arg5[%get3A_177] {strides = array<i32>} : memref<128xi32, #tpu.memory_space<vmem>>, vector<16xi32>,
      %get3A_179 = vector.shape_cast %get3A_178 : vector<16xi32> to vector<16xi32>
      %add3A_180 = vector.broadcast %add3A_88 : i32 to vector<16xi32>
      %add3A_181 = arith.addi %get3A_179, %add3A_180 : vector<16xi32>
      %mul3A_182 = arith.constant 2 : i32
      %mul3A_183 = arith.muli %scan3A_84, %mul3A_182 : i32
      %mul3A_184 = arith.constant 64 : i32
      %mul3A_185 = arith.muli %mul3A_183, %mul3A_184 : i32
      %add3A_186 = arith.constant 96 : i32
      %add3A_187 = arith.addi %mul3A_185, %add3A_186 : i32
      %swap3A_188 = arith.index_cast %add3A_187 : i32 to index
      %swap3A_189 = tpu.vector_load %arg7[%swap3A_188] {strides = array<i32>} : memref<16384xi32, #tpu.memory_space<vmem>>, vector<16xi32>,
      %swap3A_190 = vector.shape_cast %swap3A_189 : vector<16xi32> to vector<16xi32>
      %swap3A_191 = vector.shape_cast %add3A_181 : vector<16xi32> to vector<16xi32>
      tpu.vector_store %arg7[%swap3A_188], %swap3A_191 {strides = array<i32>} : memref<16384xi32, #tpu.memory_space<vmem>>, vector<16xi32>,
      %get3A_192 = arith.constant 112 : index
      %get3A_193 = tpu.vector_load %arg5[%get3A_192] {strides = array<i32>} : memref<128xi32, #tpu.memory_space<vmem>>, vector<16xi32>,
      %get3A_194 = vector.shape_cast %get3A_193 : vector<16xi32> to vector<16xi32>
      %add3A_195 = vector.broadcast %add3A_88 : i32 to vector<16xi32>
      %add3A_196 = arith.addi %get3A_194, %add3A_195 : vector<16xi32>
      %mul3A_197 = arith.constant 2 : i32
      %mul3A_198 = arith.muli %scan3A_84, %mul3A_197 : i32
      %mul3A_199 = arith.constant 64 : i32
      %mul3A_200 = arith.muli %mul3A_198, %mul3A_199 : i32
      %add3A_201 = arith.constant 112 : i32
      %add3A_202 = arith.addi %mul3A_200, %add3A_201 : i32
      %swap3A_203 = arith.index_cast %add3A_202 : i32 to index
      %swap3A_204 = tpu.vector_load %arg7[%swap3A_203] {strides = array<i32>} : memref<16384xi32, #tpu.memory_space<vmem>>, vector<16xi32>,
      %swap3A_205 = vector.shape_cast %swap3A_204 : vector<16xi32> to vector<16xi32>
      %swap3A_206 = vector.shape_cast %add3A_196 : vector<16xi32> to vector<16xi32>
      tpu.vector_store %arg7[%swap3A_203], %swap3A_206 {strides = array<i32>} : memref<16384xi32, #tpu.memory_space<vmem>>, vector<16xi32>,
      %scan3A_207 = arith.constant 0 : i32
      scf.yield %scan3A_207 : i32
    }
    %scan3A_65 = arith.constant 128 : i32
    %dma_start3A_66 = arith.constant 0 : i32
    %dma_start3A_67 = tpu.memref_slice %arg2[%dma_start3A_66] : memref<67108864xf32, #tpu.memory_space<hbm>> -> memref<67108864xf32, #tpu.memory_space<hbm>>
    tpu.enqueue_indirect_dma source(%dma_start3A_67 : memref<67108864xf32, #tpu.memory_space<hbm>>) target(%arg9 : memref<16384xf32, #tpu.memory_space<vmem>>) offsets(%arg7 : memref<16384xi32, #tpu.memory_space<vmem>>) semaphore(%arg11 : memref<!tpu.dma_semaphore, #tpu.memory_space<semaphore_mem>>)
    %dma_wait3A_68 = arith.constant 0 : i32
    %dma_wait3A_69 = tpu.memref_slice %arg2[%dma_wait3A_68] : memref<67108864xf32, #tpu.memory_space<hbm>> -> memref<67108864xf32, #tpu.memory_space<hbm>>
    tpu.wait_indirect_dma semaphore(%arg10 : memref<!tpu.dma_semaphore, #tpu.memory_space<semaphore_mem>>) src(%dma_wait3A_69 : memref<67108864xf32, #tpu.memory_space<hbm>>) dst(%arg8 : memref<16384xf32, #tpu.memory_space<vmem>>)
    %add3A_70 = arith.constant 256 : i32
    %add3A_71 = arith.addi %mul3A_2, %add3A_70 : i32
    %mul3A_72 = arith.constant 2 : i32
    %mul3A_73 = arith.muli %add3A_71, %mul3A_72 : i32
    %mul3A_74 = arith.constant 64 : i32
    %mul3A_75 = arith.muli %mul3A_73, %mul3A_74 : i32
    "tpu.region"() ({
      %run_scoped3A = tpu.sem_alloc : memref<!tpu.dma_semaphore, #tpu.memory_space<semaphore_mem>>
      %dma_start3A_84 = tpu.memref_slice %arg4[%mul3A_75] : memref<2097152xf32, #tpu.memory_space<hbm>> -> memref<16384xf32, #tpu.memory_space<hbm>>
      %dma_start3A_85 = tpu.memref_slice %arg4[%mul3A_75] : memref<2097152xf32, #tpu.memory_space<hbm>> -> memref<16384xf32, #tpu.memory_space<hbm>>
      tpu.enqueue_dma source(%arg8 : memref<16384xf32, #tpu.memory_space<vmem>>) target(%dma_start3A_85 : memref<16384xf32, #tpu.memory_space<hbm>>) target_semaphore(%run_scoped3A : memref<!tpu.dma_semaphore, #tpu.memory_space<semaphore_mem>>)
      %dma_wait3A_86 = tpu.memref_slice %arg4[%mul3A_75] : memref<2097152xf32, #tpu.memory_space<hbm>> -> memref<16384xf32, #tpu.memory_space<hbm>>
      %dma_wait3A_87 = tpu.memref_slice %arg4[%mul3A_75] : memref<2097152xf32, #tpu.memory_space<hbm>> -> memref<16384xf32, #tpu.memory_space<hbm>>
      tpu.wait_dma2 semaphore(%run_scoped3A : memref<!tpu.dma_semaphore, #tpu.memory_space<semaphore_mem>>) src(%arg8 : memref<16384xf32, #tpu.memory_space<vmem>>) dst(%dma_wait3A_87 : memref<16384xf32, #tpu.memory_space<hbm>>)
      tpu.yield
    }) : () -> ()
    %dma_wait3A_76 = arith.constant 0 : i32
    %dma_wait3A_77 = tpu.memref_slice %arg2[%dma_wait3A_76] : memref<67108864xf32, #tpu.memory_space<hbm>> -> memref<67108864xf32, #tpu.memory_space<hbm>>
    tpu.wait_indirect_dma semaphore(%arg11 : memref<!tpu.dma_semaphore, #tpu.memory_space<semaphore_mem>>) src(%dma_wait3A_77 : memref<67108864xf32, #tpu.memory_space<hbm>>) dst(%arg9 : memref<16384xf32, #tpu.memory_space<vmem>>)
    %add3A_78 = arith.constant 384 : i32
    %add3A_79 = arith.addi %mul3A_2, %add3A_78 : i32
    %mul3A_80 = arith.constant 2 : i32
    %mul3A_81 = arith.muli %add3A_79, %mul3A_80 : i32
    %mul3A_82 = arith.constant 64 : i32
    %mul3A_83 = arith.muli %mul3A_81, %mul3A_82 : i32
    "tpu.region"() ({
      %run_scoped3A = tpu.sem_alloc : memref<!tpu.dma_semaphore, #tpu.memory_space<semaphore_mem>>
      %dma_start3A_84 = tpu.memref_slice %arg4[%mul3A_83] : memref<2097152xf32, #tpu.memory_space<hbm>> -> memref<16384xf32, #tpu.memory_space<hbm>>
      %dma_start3A_85 = tpu.memref_slice %arg4[%mul3A_83] : memref<2097152xf32, #tpu.memory_space<hbm>> -> memref<16384xf32, #tpu.memory_space<hbm>>
      tpu.enqueue_dma source(%arg9 : memref<16384xf32, #tpu.memory_space<vmem>>) target(%dma_start3A_85 : memref<16384xf32, #tpu.memory_space<hbm>>) target_semaphore(%run_scoped3A : memref<!tpu.dma_semaphore, #tpu.memory_space<semaphore_mem>>)
      %dma_wait3A_86 = tpu.memref_slice %arg4[%mul3A_83] : memref<2097152xf32, #tpu.memory_space<hbm>> -> memref<16384xf32, #tpu.memory_space<hbm>>
      %dma_wait3A_87 = tpu.memref_slice %arg4[%mul3A_83] : memref<2097152xf32, #tpu.memory_space<hbm>> -> memref<16384xf32, #tpu.memory_space<hbm>>
      tpu.wait_dma2 semaphore(%run_scoped3A : memref<!tpu.dma_semaphore, #tpu.memory_space<semaphore_mem>>) src(%arg9 : memref<16384xf32, #tpu.memory_space<vmem>>) dst(%dma_wait3A_87 : memref<16384xf32, #tpu.memory_space<hbm>>)
      tpu.yield
    }) : () -> ()
    return
  }
}

module attributes {stable_mosaic.version = 14 : i64} {
  func.func @_route_body(%arg0: memref<4096x64xf32, #tpu.memory_space<vmem>>, %arg1: memref<64x64xf32, #tpu.memory_space<vmem>>, %arg2: memref<64x1xf32, #tpu.memory_space<vmem>>, %arg3: memref<4096x64xf32, #tpu.memory_space<vmem>>, %arg4: memref<8x64xf32, #tpu.memory_space<vmem>>, %arg5: memref<4096x64xf32, #tpu.memory_space<vmem>>, %arg6: memref<8x64xf32, #tpu.memory_space<vmem>>, %arg7: memref<8x128xi32, #tpu.memory_space<vmem>>, %arg8: memref<4096x128xf32, #tpu.memory_space<vmem>>, %arg9: memref<8x128xf32, #tpu.memory_space<vmem>>, %arg10: memref<4096x2xf32, #tpu.memory_space<vmem>>, %arg11: memref<8x2xf32, #tpu.memory_space<vmem>>) attributes {dimension_semantics = [], scalar_prefetch = 0 : i64, scratch_operands = 0 : i64, tpu.core_type = #tpu.core_type<tc>} {
    %get3A = arith.constant 0 : index
    %get3A_0 = arith.constant 0 : index
    %get3A_1 = vector.load %arg0[%get3A, %get3A_0] : memref<4096x64xf32, #tpu.memory_space<vmem>>, vector<4096x64xf32>
    %iota3A = tpu.iota {dimensions = array<i32: 0>} : vector<4096x64xi32>
    %reduce_max3A = arith.constant dense<0xFF800000> : vector<64xf32>
    %reduce_max3A_2 = vector.multi_reduction <maximumf>, %get3A_1, %reduce_max3A [0] : vector<4096x64xf32> to vector<64xf32>
    %broadcast_in_dim3A = vector.shape_cast %reduce_max3A_2 : vector<64xf32> to vector<1x64xf32>
    %eq3A = vector.broadcast %broadcast_in_dim3A : vector<1x64xf32> to vector<4096x64xf32>
    %eq3A_3 = arith.cmpf oeq, %get3A_1, %eq3A : vector<4096x64xf32>
    %jit3A = arith.constant 4096 : i32
    %broadcast_in_dim3A_4 = vector.broadcast %jit3A : i32 to vector<4096x64xi32>
    %select_n3A = arith.select %eq3A_3, %iota3A, %broadcast_in_dim3A_4 : vector<4096x64xi1>, vector<4096x64xi32>
    %reduce_min3A = arith.constant dense<2147483647> : vector<64xi32>
    %reduce_min3A_5 = vector.multi_reduction <minsi>, %select_n3A, %reduce_min3A [0] : vector<4096x64xi32> to vector<64xi32>
    %broadcast_in_dim3A_6 = vector.shape_cast %reduce_min3A_5 : vector<64xi32> to vector<1x64xi32>
    %eq3A_7 = vector.broadcast %broadcast_in_dim3A_6 : vector<1x64xi32> to vector<4096x64xi32>
    %eq3A_8 = arith.cmpi eq, %iota3A, %eq3A_7 : vector<4096x64xi32>
    %jit3A_9 = arith.constant 0xFF800000 : f32
    %broadcast_in_dim3A_10 = vector.broadcast %jit3A_9 : f32 to vector<4096x64xf32>
    %select_n3A_11 = arith.select %eq3A_8, %broadcast_in_dim3A_10, %get3A_1 : vector<4096x64xi1>, vector<4096x64xf32>
    %reduce_max3A_12 = arith.constant dense<0xFF800000> : vector<64xf32>
    %reduce_max3A_13 = vector.multi_reduction <maximumf>, %select_n3A_11, %reduce_max3A_12 [0] : vector<4096x64xf32> to vector<64xf32>
    %broadcast_in_dim3A_14 = vector.shape_cast %reduce_max3A_13 : vector<64xf32> to vector<1x64xf32>
    %eq3A_15 = vector.broadcast %broadcast_in_dim3A_14 : vector<1x64xf32> to vector<4096x64xf32>
    %eq3A_16 = arith.cmpf oeq, %select_n3A_11, %eq3A_15 : vector<4096x64xf32>
    %jit3A_17 = arith.constant 4096 : i32
    %broadcast_in_dim3A_18 = vector.broadcast %jit3A_17 : i32 to vector<4096x64xi32>
    %select_n3A_19 = arith.select %eq3A_16, %iota3A, %broadcast_in_dim3A_18 : vector<4096x64xi1>, vector<4096x64xi32>
    %reduce_min3A_20 = arith.constant dense<2147483647> : vector<64xi32>
    %reduce_min3A_21 = vector.multi_reduction <minsi>, %select_n3A_19, %reduce_min3A_20 [0] : vector<4096x64xi32> to vector<64xi32>
    %broadcast_in_dim3A_22 = vector.shape_cast %reduce_min3A_21 : vector<64xi32> to vector<1x64xi32>
    %concatenate3A = tpu.concatenate %broadcast_in_dim3A_6, %broadcast_in_dim3A_22 in 1 : vector<1x64xi32>, vector<1x64xi32> -> vector<1x128xi32>
    %broadcast_in_dim3A_23 = vector.shape_cast %concatenate3A : vector<1x128xi32> to vector<1x128xi32>
    %broadcast_in_dim3A_24 = vector.broadcast %broadcast_in_dim3A_23 : vector<1x128xi32> to vector<8x128xi32>
    %swap3A = arith.constant 0 : index
    %swap3A_25 = arith.constant 0 : index
    %swap3A_26 = vector.load %arg7[%swap3A, %swap3A_25] : memref<8x128xi32, #tpu.memory_space<vmem>>, vector<8x128xi32>
    tpu.vector_store %arg7[%swap3A, %swap3A_25], %broadcast_in_dim3A_24 {strides = array<i32>} : memref<8x128xi32, #tpu.memory_space<vmem>>, vector<8x128xi32>,
    %get3A_27 = arith.constant 0 : index
    %get3A_28 = arith.constant 0 : index
    %get3A_29 = vector.load %arg1[%get3A_27, %get3A_28] : memref<64x64xf32, #tpu.memory_space<vmem>>, vector<64x64xf32>
    %iota3A_30 = tpu.iota {dimensions = array<i32: 0>} : vector<64x64xi32>
    %reduce_max3A_31 = arith.constant dense<0xFF800000> : vector<64xf32>
    %reduce_max3A_32 = vector.multi_reduction <maximumf>, %get3A_29, %reduce_max3A_31 [0] : vector<64x64xf32> to vector<64xf32>
    %broadcast_in_dim3A_33 = vector.shape_cast %reduce_max3A_32 : vector<64xf32> to vector<1x64xf32>
    %eq3A_34 = vector.broadcast %broadcast_in_dim3A_33 : vector<1x64xf32> to vector<64x64xf32>
    %eq3A_35 = arith.cmpf oeq, %get3A_29, %eq3A_34 : vector<64x64xf32>
    %jit3A_36 = arith.constant 64 : i32
    %broadcast_in_dim3A_37 = vector.broadcast %jit3A_36 : i32 to vector<64x64xi32>
    %select_n3A_38 = arith.select %eq3A_35, %iota3A_30, %broadcast_in_dim3A_37 : vector<64x64xi1>, vector<64x64xi32>
    %reduce_min3A_39 = arith.constant dense<2147483647> : vector<64xi32>
    %reduce_min3A_40 = vector.multi_reduction <minsi>, %select_n3A_38, %reduce_min3A_39 [0] : vector<64x64xi32> to vector<64xi32>
    %broadcast_in_dim3A_41 = vector.shape_cast %reduce_min3A_40 : vector<64xi32> to vector<1x64xi32>
    %eq3A_42 = vector.broadcast %broadcast_in_dim3A_41 : vector<1x64xi32> to vector<64x64xi32>
    %eq3A_43 = arith.cmpi eq, %iota3A_30, %eq3A_42 : vector<64x64xi32>
    %jit3A_44 = arith.constant 0xFF800000 : f32
    %broadcast_in_dim3A_45 = vector.broadcast %jit3A_44 : f32 to vector<64x64xf32>
    %select_n3A_46 = arith.select %eq3A_43, %broadcast_in_dim3A_45, %get3A_29 : vector<64x64xi1>, vector<64x64xf32>
    %reduce_max3A_47 = arith.constant dense<0xFF800000> : vector<64xf32>
    %reduce_max3A_48 = vector.multi_reduction <maximumf>, %select_n3A_46, %reduce_max3A_47 [0] : vector<64x64xf32> to vector<64xf32>
    %broadcast_in_dim3A_49 = vector.shape_cast %reduce_max3A_48 : vector<64xf32> to vector<1x64xf32>
    %eq3A_50 = vector.broadcast %broadcast_in_dim3A_49 : vector<1x64xf32> to vector<64x64xf32>
    %eq3A_51 = arith.cmpf oeq, %select_n3A_46, %eq3A_50 : vector<64x64xf32>
    %jit3A_52 = arith.constant 64 : i32
    %broadcast_in_dim3A_53 = vector.broadcast %jit3A_52 : i32 to vector<64x64xi32>
    %select_n3A_54 = arith.select %eq3A_51, %iota3A_30, %broadcast_in_dim3A_53 : vector<64x64xi1>, vector<64x64xi32>
    %reduce_min3A_55 = arith.constant dense<2147483647> : vector<64xi32>
    %reduce_min3A_56 = vector.multi_reduction <minsi>, %select_n3A_54, %reduce_min3A_55 [0] : vector<64x64xi32> to vector<64xi32>
    %broadcast_in_dim3A_57 = vector.shape_cast %reduce_min3A_56 : vector<64xi32> to vector<1x64xi32>
    %eq3A_58 = vector.broadcast %broadcast_in_dim3A_41 : vector<1x64xi32> to vector<64x64xi32>
    %eq3A_59 = arith.cmpi eq, %iota3A_30, %eq3A_58 : vector<64x64xi32>
    %convert_element_type3A = arith.extui %eq3A_59 : vector<64x64xi1> to vector<64x64xi32>
    %convert_element_type3A_60 = arith.sitofp %convert_element_type3A : vector<64x64xi32> to vector<64x64xf32>
    %eq3A_61 = vector.broadcast %broadcast_in_dim3A_57 : vector<1x64xi32> to vector<64x64xi32>
    %eq3A_62 = arith.cmpi eq, %iota3A_30, %eq3A_61 : vector<64x64xi32>
    %convert_element_type3A_63 = arith.extui %eq3A_62 : vector<64x64xi1> to vector<64x64xi32>
    %convert_element_type3A_64 = arith.sitofp %convert_element_type3A_63 : vector<64x64xi32> to vector<64x64xf32>
    %concatenate3A_65 = tpu.concatenate %convert_element_type3A_60, %convert_element_type3A_64 in 1 : vector<64x64xf32>, vector<64x64xf32> -> vector<64x128xf32>
    %get3A_66 = arith.constant 0 : index
    %get3A_67 = arith.constant 0 : index
    %get3A_68 = vector.load %arg3[%get3A_66, %get3A_67] : memref<4096x64xf32, #tpu.memory_space<vmem>>, vector<4096x64xf32>
    %dot_general3A = arith.constant dense<0.000000e+00> : vector<4096x128xf32>
    %dot_general3A_69 = tpu.matmul %get3A_68, %concatenate3A_65, %dot_general3A {dimension_numbers = #tpu.dot_dimension_numbers<[1], [0], [0], [1], [0, 0, 1, 1], [], []>, transpose_lhs_hint = false} : vector<4096x64xf32>, vector<64x128xf32>, vector<4096x128xf32> -> vector<4096x128xf32>
    %swap3A_70 = arith.constant 0 : index
    %swap3A_71 = arith.constant 0 : index
    %swap3A_72 = vector.load %arg8[%swap3A_70, %swap3A_71] : memref<4096x128xf32, #tpu.memory_space<vmem>>, vector<4096x128xf32>
    tpu.vector_store %arg8[%swap3A_70, %swap3A_71], %dot_general3A_69 {strides = array<i32>} : memref<4096x128xf32, #tpu.memory_space<vmem>>, vector<4096x128xf32>,
    %get3A_73 = arith.constant 0 : index
    %get3A_74 = arith.constant 0 : index
    %get3A_75 = vector.load %arg4[%get3A_73, %get3A_74] : memref<8x64xf32, #tpu.memory_space<vmem>>, vector<1x64xf32>
    %dot_general3A_76 = arith.constant dense<0.000000e+00> : vector<1x128xf32>
    %dot_general3A_77 = tpu.matmul %get3A_75, %concatenate3A_65, %dot_general3A_76 {dimension_numbers = #tpu.dot_dimension_numbers<[1], [0], [0], [1], [0, 0, 1, 1], [], []>, transpose_lhs_hint = false} : vector<1x64xf32>, vector<64x128xf32>, vector<1x128xf32> -> vector<1x128xf32>
    %broadcast_in_dim3A_78 = vector.shape_cast %dot_general3A_77 : vector<1x128xf32> to vector<1x128xf32>
    %broadcast_in_dim3A_79 = vector.broadcast %broadcast_in_dim3A_78 : vector<1x128xf32> to vector<8x128xf32>
    %swap3A_80 = arith.constant 0 : index
    %swap3A_81 = arith.constant 0 : index
    %swap3A_82 = vector.load %arg9[%swap3A_80, %swap3A_81] : memref<8x128xf32, #tpu.memory_space<vmem>>, vector<8x128xf32>
    tpu.vector_store %arg9[%swap3A_80, %swap3A_81], %broadcast_in_dim3A_79 {strides = array<i32>} : memref<8x128xf32, #tpu.memory_space<vmem>>, vector<8x128xf32>,
    %get3A_83 = arith.constant 0 : index
    %get3A_84 = arith.constant 0 : index
    %get3A_85 = vector.load %arg2[%get3A_83, %get3A_84] : memref<64x1xf32, #tpu.memory_space<vmem>>, vector<64x1xf32>
    %iota3A_86 = tpu.iota {dimensions = array<i32: 0>} : vector<64x1xi32>
    %reduce_max3A_87 = arith.constant dense<0xFF800000> : vector<1xf32>
    %reduce_max3A_88 = vector.multi_reduction <maximumf>, %get3A_85, %reduce_max3A_87 [0] : vector<64x1xf32> to vector<1xf32>
    %broadcast_in_dim3A_89 = vector.shape_cast %reduce_max3A_88 : vector<1xf32> to vector<1x1xf32>
    %eq3A_90 = vector.broadcast %broadcast_in_dim3A_89 : vector<1x1xf32> to vector<64x1xf32>
    %eq3A_91 = arith.cmpf oeq, %get3A_85, %eq3A_90 : vector<64x1xf32>
    %jit3A_92 = arith.constant 64 : i32
    %broadcast_in_dim3A_93 = vector.broadcast %jit3A_92 : i32 to vector<64x1xi32>
    %select_n3A_94 = arith.select %eq3A_91, %iota3A_86, %broadcast_in_dim3A_93 : vector<64x1xi1>, vector<64x1xi32>
    %reduce_min3A_95 = arith.constant dense<2147483647> : vector<1xi32>
    %reduce_min3A_96 = vector.multi_reduction <minsi>, %select_n3A_94, %reduce_min3A_95 [0] : vector<64x1xi32> to vector<1xi32>
    %broadcast_in_dim3A_97 = vector.shape_cast %reduce_min3A_96 : vector<1xi32> to vector<1x1xi32>
    %eq3A_98 = vector.broadcast %broadcast_in_dim3A_97 : vector<1x1xi32> to vector<64x1xi32>
    %eq3A_99 = arith.cmpi eq, %iota3A_86, %eq3A_98 : vector<64x1xi32>
    %jit3A_100 = arith.constant 0xFF800000 : f32
    %broadcast_in_dim3A_101 = vector.broadcast %jit3A_100 : f32 to vector<64x1xf32>
    %select_n3A_102 = arith.select %eq3A_99, %broadcast_in_dim3A_101, %get3A_85 : vector<64x1xi1>, vector<64x1xf32>
    %reduce_max3A_103 = arith.constant dense<0xFF800000> : vector<1xf32>
    %reduce_max3A_104 = vector.multi_reduction <maximumf>, %select_n3A_102, %reduce_max3A_103 [0] : vector<64x1xf32> to vector<1xf32>
    %broadcast_in_dim3A_105 = vector.shape_cast %reduce_max3A_104 : vector<1xf32> to vector<1x1xf32>
    %eq3A_106 = vector.broadcast %broadcast_in_dim3A_105 : vector<1x1xf32> to vector<64x1xf32>
    %eq3A_107 = arith.cmpf oeq, %select_n3A_102, %eq3A_106 : vector<64x1xf32>
    %jit3A_108 = arith.constant 64 : i32
    %broadcast_in_dim3A_109 = vector.broadcast %jit3A_108 : i32 to vector<64x1xi32>
    %select_n3A_110 = arith.select %eq3A_107, %iota3A_86, %broadcast_in_dim3A_109 : vector<64x1xi1>, vector<64x1xi32>
    %reduce_min3A_111 = arith.constant dense<2147483647> : vector<1xi32>
    %reduce_min3A_112 = vector.multi_reduction <minsi>, %select_n3A_110, %reduce_min3A_111 [0] : vector<64x1xi32> to vector<1xi32>
    %broadcast_in_dim3A_113 = vector.shape_cast %reduce_min3A_112 : vector<1xi32> to vector<1x1xi32>
    %eq3A_114 = vector.broadcast %broadcast_in_dim3A_97 : vector<1x1xi32> to vector<64x1xi32>
    %eq3A_115 = arith.cmpi eq, %iota3A_86, %eq3A_114 : vector<64x1xi32>
    %convert_element_type3A_116 = arith.extui %eq3A_115 : vector<64x1xi1> to vector<64x1xi32>
    %convert_element_type3A_117 = arith.sitofp %convert_element_type3A_116 : vector<64x1xi32> to vector<64x1xf32>
    %eq3A_118 = vector.broadcast %broadcast_in_dim3A_113 : vector<1x1xi32> to vector<64x1xi32>
    %eq3A_119 = arith.cmpi eq, %iota3A_86, %eq3A_118 : vector<64x1xi32>
    %convert_element_type3A_120 = arith.extui %eq3A_119 : vector<64x1xi1> to vector<64x1xi32>
    %convert_element_type3A_121 = arith.sitofp %convert_element_type3A_120 : vector<64x1xi32> to vector<64x1xf32>
    %concatenate3A_122 = tpu.concatenate %convert_element_type3A_117, %convert_element_type3A_121 in 1 : vector<64x1xf32>, vector<64x1xf32> -> vector<64x2xf32>
    %get3A_123 = arith.constant 0 : index
    %get3A_124 = arith.constant 0 : index
    %get3A_125 = vector.load %arg5[%get3A_123, %get3A_124] : memref<4096x64xf32, #tpu.memory_space<vmem>>, vector<4096x64xf32>
    %dot_general3A_126 = arith.constant dense<0.000000e+00> : vector<4096x2xf32>
    %dot_general3A_127 = tpu.matmul %get3A_125, %concatenate3A_122, %dot_general3A_126 {dimension_numbers = #tpu.dot_dimension_numbers<[1], [0], [0], [1], [0, 0, 1, 1], [], []>, transpose_lhs_hint = false} : vector<4096x64xf32>, vector<64x2xf32>, vector<4096x2xf32> -> vector<4096x2xf32>
    %swap3A_128 = arith.constant 0 : index
    %swap3A_129 = arith.constant 0 : index
    %swap3A_130 = vector.load %arg10[%swap3A_128, %swap3A_129] : memref<4096x2xf32, #tpu.memory_space<vmem>>, vector<4096x2xf32>
    tpu.vector_store %arg10[%swap3A_128, %swap3A_129], %dot_general3A_127 {strides = array<i32>} : memref<4096x2xf32, #tpu.memory_space<vmem>>, vector<4096x2xf32>,
    %get3A_131 = arith.constant 0 : index
    %get3A_132 = arith.constant 0 : index
    %get3A_133 = vector.load %arg6[%get3A_131, %get3A_132] : memref<8x64xf32, #tpu.memory_space<vmem>>, vector<1x64xf32>
    %dot_general3A_134 = arith.constant dense<0.000000e+00> : vector<1x2xf32>
    %dot_general3A_135 = tpu.matmul %get3A_133, %concatenate3A_122, %dot_general3A_134 {dimension_numbers = #tpu.dot_dimension_numbers<[1], [0], [0], [1], [0, 0, 1, 1], [], []>, transpose_lhs_hint = false} : vector<1x64xf32>, vector<64x2xf32>, vector<1x2xf32> -> vector<1x2xf32>
    %broadcast_in_dim3A_136 = vector.shape_cast %dot_general3A_135 : vector<1x2xf32> to vector<1x2xf32>
    %broadcast_in_dim3A_137 = vector.broadcast %broadcast_in_dim3A_136 : vector<1x2xf32> to vector<8x2xf32>
    %swap3A_138 = arith.constant 0 : index
    %swap3A_139 = arith.constant 0 : index
    %swap3A_140 = vector.load %arg11[%swap3A_138, %swap3A_139] : memref<8x2xf32, #tpu.memory_space<vmem>>, vector<8x2xf32>
    tpu.vector_store %arg11[%swap3A_138, %swap3A_139], %broadcast_in_dim3A_137 {strides = array<i32>} : memref<8x2xf32, #tpu.memory_space<vmem>>, vector<8x2xf32>,
    return
  }
}

module attributes {stable_mosaic.version = 14 : i64} {
  func.func @_main_body(%arg0: i32, %arg1: memref<512x128xf32, #tpu.memory_space<vmem>>, %arg2: memref<128x4096xf32, #tpu.memory_space<vmem>>, %arg3: memref<8x4096xf32, #tpu.memory_space<vmem>>, %arg4: memref<4096x128xf32, #tpu.memory_space<vmem>>, %arg5: memref<8x128xf32, #tpu.memory_space<vmem>>, %arg6: memref<128x4096xf32, #tpu.memory_space<vmem>>, %arg7: memref<8x4096xf32, #tpu.memory_space<vmem>>, %arg8: memref<4096x2xf32, #tpu.memory_space<vmem>>, %arg9: memref<8x2xf32, #tpu.memory_space<vmem>>, %arg10: memref<512x2xf32, #tpu.memory_space<vmem>>) attributes {dimension_semantics = [#tpu.dimension_semantics<arbitrary>], iteration_bounds = array<i64: 32>, scalar_prefetch = 0 : i64, scratch_operands = 0 : i64, tpu.core_type = #tpu.core_type<tc>, window_params = [{transform_indices = @transform_0, window_bounds = array<i64: 512, 128>}, {pipeline_mode = #tpu.pipeline_mode<synchronous>, transform_indices = @transform_1, window_bounds = array<i64: 128, 4096>}, {pipeline_mode = #tpu.pipeline_mode<synchronous>, transform_indices = @transform_2, window_bounds = array<i64: 8, 4096>}, {pipeline_mode = #tpu.pipeline_mode<synchronous>, transform_indices = @transform_3, window_bounds = array<i64: 4096, 128>}, {pipeline_mode = #tpu.pipeline_mode<synchronous>, transform_indices = @transform_4, window_bounds = array<i64: 8, 128>}, {pipeline_mode = #tpu.pipeline_mode<synchronous>, transform_indices = @transform_5, window_bounds = array<i64: 128, 4096>}, {pipeline_mode = #tpu.pipeline_mode<synchronous>, transform_indices = @transform_6, window_bounds = array<i64: 8, 4096>}, {pipeline_mode = #tpu.pipeline_mode<synchronous>, transform_indices = @transform_7, window_bounds = array<i64: 4096, 2>}, {pipeline_mode = #tpu.pipeline_mode<synchronous>, transform_indices = @transform_8, window_bounds = array<i64: 8, 2>}, {transform_indices = @transform_9, window_bounds = array<i64: 512, 2>}]} {
    %get3A = arith.constant 0 : index
    %get3A_0 = arith.constant 0 : index
    %get3A_1 = vector.load %arg1[%get3A, %get3A_0] : memref<512x128xf32, #tpu.memory_space<vmem>>, vector<512x128xf32>
    %get3A_2 = arith.constant 0 : index
    %get3A_3 = arith.constant 0 : index
    %get3A_4 = vector.load %arg2[%get3A_2, %get3A_3] : memref<128x4096xf32, #tpu.memory_space<vmem>>, vector<128x4096xf32>
    %dot_general3A = arith.constant dense<0.000000e+00> : vector<512x4096xf32>
    %dot_general3A_5 = tpu.matmul %get3A_1, %get3A_4, %dot_general3A {dimension_numbers = #tpu.dot_dimension_numbers<[1], [0], [0], [1], [0, 0, 1, 1], [], []>, transpose_lhs_hint = false} : vector<512x128xf32>, vector<128x4096xf32>, vector<512x4096xf32> -> vector<512x4096xf32>
    %get3A_6 = arith.constant 0 : index
    %get3A_7 = arith.constant 0 : index
    %get3A_8 = vector.load %arg3[%get3A_6, %get3A_7] : memref<8x4096xf32, #tpu.memory_space<vmem>>, vector<1x4096xf32>
    %add3A = vector.broadcast %get3A_8 : vector<1x4096xf32> to vector<512x4096xf32>
    %add3A_9 = arith.addf %dot_general3A_5, %add3A : vector<512x4096xf32>
    %max3A = arith.constant 0.000000e+00 : f32
    %max3A_10 = vector.broadcast %max3A : f32 to vector<512x4096xf32>
    %max3A_11 = arith.maximumf %add3A_9, %max3A_10 : vector<512x4096xf32>
    %get3A_12 = arith.constant 0 : index
    %get3A_13 = arith.constant 0 : index
    %get3A_14 = vector.load %arg4[%get3A_12, %get3A_13] : memref<4096x128xf32, #tpu.memory_space<vmem>>, vector<4096x128xf32>
    %dot_general3A_15 = arith.constant dense<0.000000e+00> : vector<512x128xf32>
    %dot_general3A_16 = tpu.matmul %max3A_11, %get3A_14, %dot_general3A_15 {dimension_numbers = #tpu.dot_dimension_numbers<[1], [0], [0], [1], [0, 0, 1, 1], [], []>, transpose_lhs_hint = false} : vector<512x4096xf32>, vector<4096x128xf32>, vector<512x128xf32> -> vector<512x128xf32>
    %get3A_17 = arith.constant 0 : index
    %get3A_18 = arith.constant 0 : index
    %get3A_19 = vector.load %arg5[%get3A_17, %get3A_18] : memref<8x128xf32, #tpu.memory_space<vmem>>, vector<1x128xf32>
    %add3A_20 = vector.broadcast %get3A_19 : vector<1x128xf32> to vector<512x128xf32>
    %add3A_21 = arith.addf %dot_general3A_16, %add3A_20 : vector<512x128xf32>
    %get3A_22 = arith.constant 0 : index
    %get3A_23 = arith.constant 0 : index
    %get3A_24 = vector.load %arg6[%get3A_22, %get3A_23] : memref<128x4096xf32, #tpu.memory_space<vmem>>, vector<128x4096xf32>
    %dot_general3A_25 = arith.constant dense<0.000000e+00> : vector<512x4096xf32>
    %dot_general3A_26 = tpu.matmul %add3A_21, %get3A_24, %dot_general3A_25 {dimension_numbers = #tpu.dot_dimension_numbers<[1], [0], [0], [1], [0, 0, 1, 1], [], []>, transpose_lhs_hint = false} : vector<512x128xf32>, vector<128x4096xf32>, vector<512x4096xf32> -> vector<512x4096xf32>
    %get3A_27 = arith.constant 0 : index
    %get3A_28 = arith.constant 0 : index
    %get3A_29 = vector.load %arg7[%get3A_27, %get3A_28] : memref<8x4096xf32, #tpu.memory_space<vmem>>, vector<1x4096xf32>
    %add3A_30 = vector.broadcast %get3A_29 : vector<1x4096xf32> to vector<512x4096xf32>
    %add3A_31 = arith.addf %dot_general3A_26, %add3A_30 : vector<512x4096xf32>
    %max3A_32 = arith.constant 0.000000e+00 : f32
    %max3A_33 = vector.broadcast %max3A_32 : f32 to vector<512x4096xf32>
    %max3A_34 = arith.maximumf %add3A_31, %max3A_33 : vector<512x4096xf32>
    %get3A_35 = arith.constant 0 : index
    %get3A_36 = arith.constant 0 : index
    %get3A_37 = vector.load %arg8[%get3A_35, %get3A_36] : memref<4096x2xf32, #tpu.memory_space<vmem>>, vector<4096x2xf32>
    %dot_general3A_38 = arith.constant dense<0.000000e+00> : vector<512x2xf32>
    %dot_general3A_39 = tpu.matmul %max3A_34, %get3A_37, %dot_general3A_38 {dimension_numbers = #tpu.dot_dimension_numbers<[1], [0], [0], [1], [0, 0, 1, 1], [], []>, transpose_lhs_hint = false} : vector<512x4096xf32>, vector<4096x2xf32>, vector<512x2xf32> -> vector<512x2xf32>
    %get3A_40 = arith.constant 0 : index
    %get3A_41 = arith.constant 0 : index
    %get3A_42 = vector.load %arg9[%get3A_40, %get3A_41] : memref<8x2xf32, #tpu.memory_space<vmem>>, vector<1x2xf32>
    %add3A_43 = vector.broadcast %get3A_42 : vector<1x2xf32> to vector<512x2xf32>
    %add3A_44 = arith.addf %dot_general3A_39, %add3A_43 : vector<512x2xf32>
    %logistic3A = arith.negf %add3A_44 : vector<512x2xf32>
    %logistic3A_45 = math.exp %logistic3A : vector<512x2xf32>
    %logistic3A_46 = arith.constant 1.000000e+00 : f32
    %logistic3A_47 = vector.broadcast %logistic3A_46 : f32 to vector<512x2xf32>
    %logistic3A_48 = arith.addf %logistic3A_47, %logistic3A_45 : vector<512x2xf32>
    %logistic3A_49 = arith.divf %logistic3A_47, %logistic3A_48 : vector<512x2xf32>
    %swap3A = arith.constant 0 : index
    %swap3A_50 = arith.constant 0 : index
    %swap3A_51 = vector.load %arg10[%swap3A, %swap3A_50] : memref<512x2xf32, #tpu.memory_space<vmem>>, vector<512x2xf32>
    tpu.vector_store %arg10[%swap3A, %swap3A_50], %logistic3A_49 {strides = array<i32>} : memref<512x2xf32, #tpu.memory_space<vmem>>, vector<512x2xf32>,
    return
  }
  func.func @transform_0(%arg0: i32) -> (i32, i32) {
    %c0_i32 = arith.constant 0 : i32
    %c0_i32_0 = arith.constant 0 : i32
    return %arg0, %c0_i32 : i32, i32
  }
  func.func @transform_1(%arg0: i32) -> (i32, i32) {
    %c0_i32 = arith.constant 0 : i32
    %c0_i32_0 = arith.constant 0 : i32
    %c0_i32_1 = arith.constant 0 : i32
    return %c0_i32, %c0_i32_0 : i32, i32
  }
  func.func @transform_2(%arg0: i32) -> (i32, i32) {
    %c0_i32 = arith.constant 0 : i32
    %c0_i32_0 = arith.constant 0 : i32
    %c0_i32_1 = arith.constant 0 : i32
    return %c0_i32, %c0_i32_0 : i32, i32
  }
  func.func @transform_3(%arg0: i32) -> (i32, i32) {
    %c0_i32 = arith.constant 0 : i32
    %c0_i32_0 = arith.constant 0 : i32
    %c0_i32_1 = arith.constant 0 : i32
    return %c0_i32, %c0_i32_0 : i32, i32
  }
  func.func @transform_4(%arg0: i32) -> (i32, i32) {
    %c0_i32 = arith.constant 0 : i32
    %c0_i32_0 = arith.constant 0 : i32
    %c0_i32_1 = arith.constant 0 : i32
    return %c0_i32, %c0_i32_0 : i32, i32
  }
  func.func @transform_5(%arg0: i32) -> (i32, i32) {
    %c0_i32 = arith.constant 0 : i32
    %c0_i32_0 = arith.constant 0 : i32
    %c0_i32_1 = arith.constant 0 : i32
    return %c0_i32, %c0_i32_0 : i32, i32
  }
  func.func @transform_6(%arg0: i32) -> (i32, i32) {
    %c0_i32 = arith.constant 0 : i32
    %c0_i32_0 = arith.constant 0 : i32
    %c0_i32_1 = arith.constant 0 : i32
    return %c0_i32, %c0_i32_0 : i32, i32
  }
  func.func @transform_7(%arg0: i32) -> (i32, i32) {
    %c0_i32 = arith.constant 0 : i32
    %c0_i32_0 = arith.constant 0 : i32
    %c0_i32_1 = arith.constant 0 : i32
    return %c0_i32, %c0_i32_0 : i32, i32
  }
  func.func @transform_8(%arg0: i32) -> (i32, i32) {
    %c0_i32 = arith.constant 0 : i32
    %c0_i32_0 = arith.constant 0 : i32
    %c0_i32_1 = arith.constant 0 : i32
    return %c0_i32, %c0_i32_0 : i32, i32
  }
  func.func @transform_9(%arg0: i32) -> (i32, i32) {
    %c0_i32 = arith.constant 0 : i32
    %c0_i32_0 = arith.constant 0 : i32
    return %arg0, %c0_i32 : i32, i32
  }
}

</mosaic_0001>

<sc_bundles>
// kernel: kernel.5.cloned.1.call-start
scs
__scs_entry_jumppad:
0x0: {  	(pc) =	sbr.rel $0x88, $3  }
0x1: {  	(tag) =	ssettag $0x0;
	lr =	simm.s32 $0x1  }
0x2: {  	[smem:$0x3F94] =	sst lr;
	_ =	strace $0xD0000000  }
0x3: {  	_ = 	snop  }
0x4: {  	_ = 	snop  }
0x5: {  	_ = 	snop  }
0x6: {  	_ = 	snop  }
0x7: {  	_ = 	snop  }
__scs_overlays_trampoline_lowered:
0x8: {  	[smem:$0x3FA3] =	sst s0  }
0x9: {  	[smem:$0x3FA4] =	sst s1  }
0xa: {  	[smem:$0x3FA5] =	sst s2  }
0xb: {  	[smem:$0x3FA6] =	sst s3  }
0xc: {  	[smem:$0x3FA7] =	sst s4  }
0xd: {  	[smem:$0x3FA8] =	sst s5  }
0xe: {  	[smem:$0x3FA9] =	sst s6  }
0xf: {  	[smem:$0x3FAA] =	sst s7  }
0x10: {  	[smem:$0x3FAB] =	sst s8  }
0x11: {  	[smem:$0x3FAC] =	sst s9;
	s0 =	simm.s32 @!p0 $0x0  }
0x12: {  	s1 =	sld [smem:$0x3F92];
	s0 =	simm.s32 @p0 $0x1  }
0x13: {  	[smem:$0x3FAD] =	sst s0;
	s0 =	simm.s32 @!p1 $0x0  }
0x14: {  	s2 =	sld [smem:$0x3F91];
	s0 =	simm.s32 @p1 $0x1  }
0x15: {  	[smem:$0x3FAE] =	sst s0;
	s0 =	simm.s32 @!p2 $0x0  }
0x16: {  	s3 =	sld [smem:$0x3FDB];
	s0 =	simm.s32 @p2 $0x1  }
0x17: {  	s4 =	simm.s32 $0x1BF5;
	[smem:$0x3FB0] =	sst s0  }
0x18: {  	s0 =	sld [smem:$0x3F93];
	_ =	swait.ge [sflag:s4], $0x0  }
0x19: {  	s7 =	sld [smem:$0x3F94]  }
0x1a: {  	s8 =	sadd.s32 $0xFFFFE003, lr  }
0x1b: {  	s9 =	sadd.s32 $0xFFFFFEF7, lr;
	s5 =	simm.s32 $0xFFFFFFFF;
	p2 =	slt.u32 s8, $0xFFFFF086  }
0x1c: {  	p1 =	slt.u32 s9, $0xF7A;
	s5 =	simm.s32 @!p2 $0x0  }
0x1d: {  	s5 =	simm.s32 @p1 $0x1;
	p0 =	seq.s32 s7, s2  }
0x1e: {  	s7 =	smul.u32 @!p0 $0xF7A, s2;
	p2 =	seq.s32 @!p0 s5, $0x0  }
0x1f: {  	s9 =	smul.u32 $0xF7A, s1;
	s8 =	simm.s32 @!p0 $0x1BF5;
	p2 =	por !p2, p0  }
0x20: {  	[sflag:s8] =	ssyncset.s32 @!p0 $0xFFFFF086;
	s6 =	sadd.s32 @!p0 s3, s7;
	s7 =	simm.s32 @!p0 $0x108  }
0x21: {  	s3 =	sadd.s32 s3, s9;
	s6 =	sadd.s32 @!p0 $0x88, s6;
	s7 =	simm.s32 @p2 $0x1082  }
0x22: {  	[simem:s7], [sflag:s8] =	dma.local @!p0 [hbm:s6], $0xF7A  }
0x23: {  	s9 =	sor.u32 $0xD0000000, s2;
	s6 =	simm.s32 $0x108;
	_ =	swait.ge @!p0 [sflag:s8], $0x0  }
0x24: {  	s3 =	sadd.s32 $0x88, s3;
	s6 =	simm.s32 @!p1 $0x1082;
	[sflag:s4] =	ssyncset.s32 $0xFFFFF086  }
0x25: {  	[simem:s6], [sflag:s4] =	dma.local [hbm:s3], $0xF7A  }
0x26: {  	[smem:$0x3F94] =	sst s1;
	(tag) =	ssettag s2;
	_ =	strace s9  }
0x27: {  	s1 =	sld [smem:$0x3FA4]  }
0x28: {  	s2 =	sld [smem:$0x3FA5]  }
0x29: {  	s4 =	sld [smem:$0x3FA7]  }
0x2a: {  	p0 =	seq.s32 s5, $0x0;
	s5 =	sld [smem:$0x3FA8]  }
0x2b: {  	s6 =	sld [smem:$0x3FA9]  }
0x2c: {  	s7 =	sld [smem:$0x3FAA]  }
0x2d: {  	s3 =	simm.s32 $0x108;
	s8 =	sld [smem:$0x3FAB]  }
0x2e: {  	s3 =	simm.s32 @!p0 $0x1082;
	s9 =	sld [smem:$0x3FAC]  }
0x2f: {  	lr =	sadd.s32 s0, s3;
	s0 =	sld [smem:$0x3FA3]  }
0x30: {  	s3 =	sld [smem:$0x3FA6]  }
0x31: {  	[smem:$0x3FAF] =	sst s10  }
0x32: {  	s10 =	sld [smem:$0x3FAD];
	_ =	sdelay $0x3  }
0x33: {  	p0 =	seq.s32 s10, $0x1;
	s10 =	sld [smem:$0x3FAF];
	_ =	sdelay $0x3  }
0x34: {  	[smem:$0x3FAF] =	sst s10  }
0x35: {  	s10 =	sld [smem:$0x3FAE];
	_ =	sdelay $0x3  }
0x36: {  	p1 =	seq.s32 s10, $0x1;
	s10 =	sld [smem:$0x3FAF];
	_ =	sdelay $0x3  }
0x37: {  	[smem:$0x3FAF] =	sst s10  }
0x38: {  	s10 =	sld [smem:$0x3FB0]  }
0x39: {  	_ = 	snop;
	(pc) =	sbr.ind lr, $3  }
0x3a: {  	_ = 	snop  }
0x3b: {  	_ = 	snop  }
0x3c: {  	p2 =	seq.s32 s10, $0x1;
	s10 =	sld [smem:$0x3FAF]  }
0x3d: {  	_ =	shalt  }
0x3e: {  	_ =	shalt  }
0x3f: {  	_ =	shalt  }
0x40: {  	_ =	shalt  }
0x41: {  	_ =	shalt  }
0x42: {  	_ =	shalt  }
0x43: {  	_ =	shalt  }
0x44: {  	_ =	shalt  }
0x45: {  	_ =	shalt  }
0x46: {  	_ =	shalt  }
0x47: {  	_ =	shalt  }
0x48: {  	_ =	shalt  }
0x49: {  	_ =	shalt  }
0x4a: {  	_ =	shalt  }
0x4b: {  	_ =	shalt  }
0x4c: {  	_ =	shalt  }
0x4d: {  	_ =	shalt  }
0x4e: {  	_ =	shalt  }
0x4f: {  	_ =	shalt  }
0x50: {  	_ =	shalt  }
0x51: {  	_ =	shalt  }
0x52: {  	_ =	shalt  }
0x53: {  	_ =	shalt  }
0x54: {  	_ =	shalt  }
0x55: {  	_ =	shalt  }
0x56: {  	_ =	shalt  }
0x57: {  	_ =	shalt  }
0x58: {  	_ =	shalt  }
0x59: {  	_ =	shalt  }
0x5a: {  	_ =	shalt  }
0x5b: {  	_ =	shalt  }
0x5c: {  	_ =	shalt  }
0x5d: {  	_ =	shalt  }
0x5e: {  	_ =	shalt  }
0x5f: {  	_ =	shalt  }
0x60: {  	_ =	shalt  }
0x61: {  	_ =	shalt  }
0x62: {  	_ =	shalt  }
0x63: {  	_ =	shalt  }
0x64: {  	_ =	shalt  }
0x65: {  	_ =	shalt  }
0x66: {  	_ =	shalt  }
0x67: {  	_ =	shalt  }
0x68: {  	_ =	shalt  }
0x69: {  	_ =	shalt  }
0x6a: {  	_ =	shalt  }
0x6b: {  	_ =	shalt  }
0x6c: {  	_ =	shalt  }
0x6d: {  	_ =	shalt  }
0x6e: {  	_ =	shalt  }
0x6f: {  	_ =	shalt  }
0x70: {  	_ =	shalt  }
0x71: {  	_ =	shalt  }
0x72: {  	_ =	shalt  }
0x73: {  	_ =	shalt  }
0x74: {  	_ =	shalt  }
0x75: {  	_ =	shalt  }
0x76: {  	_ =	shalt  }
0x77: {  	_ =	shalt  }
0x78: {  	_ =	shalt  }
0x79: {  	_ =	shalt  }
0x7a: {  	_ =	shalt  }
0x7b: {  	_ =	shalt  }
0x7c: {  	_ =	shalt  }
0x7d: {  	_ =	shalt  }
0x7e: {  	_ =	shalt  }
0x7f: {  	_ =	shalt  }
0x80: {  	_ =	shalt  }
0x81: {  	_ =	shalt  }
0x82: {  	_ =	shalt  }
0x83: {  	_ =	shalt  }
0x84: {  	_ =	shalt  }
0x85: {  	_ =	shalt  }
0x86: {  	_ =	shalt  }
0x87: {  	_ =	shalt  }
.Lfunc_end0:
.L_simem_size_0:
called_computation.1_lowered:
.L_overlay_start_0:
0x88: {  	s2 =	sld [smem:$0x3FD9]  }
0x89: {  	s3 =	sld [smem:$0x3FFE];
	_ =	sdelay $0x1  }
0x8a: {  	s1 =	srdreg.scid  }
0x8b: {  	s0 =	sand.u32 $0x1, s1  }
0x8c: {  	s16 =	sshll.u32 s0, $0xA;
	s2 =	sadd.s32 s3, s2  }
0x8d: {  	s2 =	sadd.s32 s2, s16  }
0x8e: {  	[smem:$0x3FBB] =	sst s2  }
0x8f: {  	_ = 	snop  }
0x90: {  	(tm) =	ssettm $0x1  }
0x91: {  	s17 =	sld [smem:$0x3FFB];
	_ =	sdelay $0x3  }
0x92: {  	_ =	strace s17  }
0x93: {  	s2 =	sld [smem:$0x3FFC];
	_ =	sdelay $0x3  }
0x94: {  	_ =	strace s2  }
0x95: {  	s2 =	sld [smem:$0x3FFD];
	_ =	sdelay $0x3  }
0x96: {  	_ =	strace s2  }
0x97: {  	_ =	strace $0x8FFFFFFF  }
0x98: {  	s18 =	sld [smem:$0x3FDB];
	_ =	sdelay $0x1  }
0x99: {  	s19 =	simm.s32 $_scs_section_size  }
0x9a: {  	s4 =	simm.s32 $_size__tile_overlayer_lowered;
	s5 =	simm.s32 $_tile_overlayer_lowered  }
0x9b: {  	s22 =	simm.s32 $0x1BFF;
	s21 =	sshll.u32 s5, $0x1;
	s2 =	sadd.s32 s19, s18  }
0x9c: {  	s6 =	simm.s32 $0x0;
	s20 =	sshll.u32 s4, $0x1;
	s4 =	sadd.s32 s21, s2  }
0x9d: {  	[timem:s6], [sflag:s22] =	dma.local [hbm:s4], s20  }
0x9e: {  	_ =	swait.ge [sflag:s22], s20  }
0x9f: {  	s3 =	ssub.s32 $0x0, s20;
	[sflag:s22] =	ssyncset.done $0x0  }
0xa0: {  	[sflag:s22] =	ssyncadd.s32 s3;
	_ =	sdelay $0x1  }
0xa1: {  	s23 =	simm.s32 $0x1B8B  }
0xa2: {  	_ =	swait.ge [sflag:s23], $0x1  }
0xa3: {  	[sflag:s23] =	ssyncset.done $0x0  }
0xa4: {  	s25 =	simm.s32 $0x1B8E;
	s24 =	sld [smem:$0x3FFE];
	[sflag:s23] =	ssyncadd.s32 $0xFFFFFFFF  }
0xa5: {  	s26 =	simm.s32 $execute0_lowered;
	[smem:$0x3FD2] =	sst s25  }
0xa6: {  	s4 =	sshll.u32 s26, $0x1;
	_ =	strace $0x80000049;
	[dreg:$0x1] =	wrdreg $0xFFFFFFFF  }
0xa7: {  	s28 =	simm.s32 $_size_execute0_lowered;
	s2 =	sadd.s32 s2, s4;
	[dreg:$0x0] =	wrdreg $0x0  }
0xa8: {  	s4 =	sshll.u32 s28, $0x1;
	[dreg:$0x2] =	wrdreg s2  }
0xa9: {  	[dreg:$0x3] =	wrdreg s4  }
0xaa: {  	[dreg:$0x4] =	wrdreg $0xC0  }
0xab: {  	_ =	task [dreg:s6], $0x5FFFF  }
0xac: {  	[dreg:$0x1] =	wrdreg $0xFFFFFFFF  }
0xad: {  	[dreg:$0x0] =	wrdreg $0x60  }
0xae: {  	[dreg:$0x2] =	wrdreg s24  }
0xaf: {  	[dreg:$0x3] =	wrdreg $0x9  }
0xb0: {  	_ =	task.clear_ibuf [dreg:s6], $0x4FFFF;
	_ =	strace $0x90000049  }
0xb1: {  	s29 =	simm.s32 $0x9;
	_ =	strace $0x8000004B  }
0xb2: {  	_ =	swait.ge [sflag:s29], $0x1  }
0xb3: {  	[sflag:s29] =	ssyncadd.s32 $0xFFFFFFFF  }
0xb4: {  	_ =	strace $0x9000004B  }
0xb5: {  	_ =	sfence  }
0xb6: {  	s30 =	sld [smem:$0x0];
	_ =	sdelay $0x2  }
0xb7: {  	s31 =	sshll.u32 s1, $0xD;
	s1 =	sshrl.u32 s1, $0x2  }
0xb8: {  	s3 =	sand.u32 $0x4000, s31;
	s1 =	sadd.s32 s1, s30  }
0xb9: {  	s0 =	sor.u32 s3, s0;
	s1 =	sshll.u32 s1, $0x11  }
0xba: {  	s0 =	sor.u32 s1, s0  }
0xbb: {  	s0 =	sadd.s32 $0x8F2B, s0  }
0xbc: {  	[sflag:s0] =	ssyncadd.remote.s32 $0x1  }
0xbd: {  	_ =	sfence.sel $0xFFFF  }
0xbe: {  	[dreg:$0x0] =	wrdreg $0xFFFFFFFF;
	(pc) =	sbr.abs _section_cstart, $3  }
0xbf: {  	[dreg:$0x1] =	wrdreg $0xFFFFFFFF  }
0xc0: {  	_ =	task.clear_ibuf [dreg:s6], $0x2FFFF;
	_ =	strace $0x9FFFFFFF  }
0xc1: {  	(tm) =	ssettm $0x7FFFFFFF  }
tec
execute0_lowered:
.L_overlay_start_1:
0x0: {  	(tag) =	ssettag $0x1  }
0x1: {  	s5 =	rddreg [dreg:$0x0]  }
0x2: {  	s0 =	rddreg [dreg:$0x1];
	s2 =	simm.s32 $0x0;
	s3 =	srdreg.scid  }
0x3: {  	s1 =	stileid.u32;
	s14 =	simm.s32 $0x3;
	s15 =	simm.s32 $0x4000  }
0x4: {  	s16 =	simm.s32 $0x80;
	s17 =	simm.s32 $0x8080;
	s18 =	simm.s32 $0x4080  }
0x5: {  	s19 =	simm.s32 $0xC080;
	s20 =	simm.s32 $0x1;
	s21 =	simm.s32 $0x2  }
0x6: {  	s22 =	simm.s32 $0x0;
	[smem:$0x7FF] =	sst s2;
	s8 =	sand.u32 $0x1, s3  }
0x7: {  	s4 =	sshll.u32 s1, $0xE;
	s3 =	sadd.s32 $0x3400, s5;
	s6 =	sshll.u32 s8, $0xD  }
0x8: {  	s11 =	sshll.u32 s1, $0x16;
	_ =	strace $0x8000004A;
	s6 =	sor.u32 s6, s4  }
0x9: {  	s7 =	ssub.s32 $0x2, s8;
	s12 =	sshll.u32 s8, $0x15;
	s9 =	sadd.s32 s6, s5  }
0xa: {  	s4 =	sadd.s32 $0x823800, s5;
	s31 =	sshrl.u32 s7, $0x1;
	s5 =	sadd.s32 $0x823A00, s9  }
0xb: {  	s10 =	ssub.s32 s7, s31;
	s6 =	sadd.s32 $0x824200, s9;
	s7 =	sadd.s32 $0x824A00, s9  }
0xc: {  	s8 =	sadd.s32 $0x825200, s9;
	s9 =	smax.u32 s10, $0x1;
	s10 =	sor.u32 s12, s11  }
0xd: {  	s11 =	sor.u32 $0x80000, s10;
	s12 =	sor.u32 $0x100000, s10;
	s13 =	sor.u32 $0x180000, s10  }
.LBB2_1:
0xe: {  	[tilespmem:s2], [sflag:$0x3] =	stream.linear.gather [hbm4b:s4+s2], $0x80, $0x38;
	[tilespmem:$0x10080] =	vst v63  }
0xf: {  	_ =	swait.ge [sflag:s14], $0x80  }
0x10: {  	[sflag:s14] =	ssyncset.done $0x0  }
0x11: {  	[sflag:s14] =	ssyncadd.s32 $0xFFFFFF80  }
0x12: {  	v0 =	vld [tilespmem:$0x0];
	_ =	sdelay $0x3  }
0x13: {  	s24 =	sadd.s32 $0x0, s10  }
0x14: {  	s23 =	simm.s32 $0xC0;
	v0 =	vadd.s32 s24, v0  }
0x15: {  	[tilespmem:s23+$0xFFFFFFC0] =	vst v0  }
0x16: {  	v0 =	vld [tilespmem:$0x10];
	_ =	sdelay $0x4  }
0x17: {  	v0 =	vadd.s32 s24, v0  }
0x18: {  	[tilespmem:s23+$0xFFFFFFD0] =	vst v0  }
0x19: {  	v0 =	vld [tilespmem:$0x20];
	_ =	sdelay $0x4  }
0x1a: {  	v0 =	vadd.s32 s24, v0  }
0x1b: {  	[tilespmem:s23+$0xFFFFFFE0] =	vst v0  }
0x1c: {  	v0 =	vld [tilespmem:$0x30];
	_ =	sdelay $0x4  }
0x1d: {  	v0 =	vadd.s32 s24, v0  }
0x1e: {  	[tilespmem:s23+$0xFFFFFFF0] =	vst v0  }
0x1f: {  	v0 =	vld [tilespmem:$0x40];
	_ =	sdelay $0x4  }
0x20: {  	v0 =	vadd.s32 s24, v0  }
0x21: {  	[tilespmem:s23+$0x0] =	vst v0  }
0x22: {  	v0 =	vld [tilespmem:$0x50];
	_ =	sdelay $0x4  }
0x23: {  	v0 =	vadd.s32 s24, v0  }
0x24: {  	[tilespmem:s23+$0x10] =	vst v0  }
0x25: {  	v0 =	vld [tilespmem:$0x60];
	_ =	sdelay $0x4  }
0x26: {  	v0 =	vadd.s32 s24, v0  }
0x27: {  	[tilespmem:s23+$0x20] =	vst v0  }
0x28: {  	v0 =	vld [tilespmem:$0x70];
	_ =	sdelay $0x4  }
0x29: {  	v0 =	vadd.s32 s24, v0  }
0x2a: {  	[tilespmem:s23+$0x30] =	vst v0  }
0x2b: {  	s25 =	simm.s32 $0x2000;
	s24 =	simm.s32 $0x1000;
	v0 =	vld [tilespmem:$0x0]  }
.LBB2_2:
0x2c: {  	p0 =	sne.s32 s25, $0x7F000;
	_ =	sdelay $0x2  }
0x2d: {  	s26 =	sadd.s32 s24, s10;
	s24 =	smov.u32 s25  }
0x2e: {  	s23 =	sadd.s32 $0x80, s23;
	v0 =	vadd.s32 s26, v0  }
0x2f: {  	[tilespmem:s23+$0xFFFFFFC0] =	vst v0  }
0x30: {  	v0 =	vld [tilespmem:$0x10];
	_ =	sdelay $0x4  }
0x31: {  	v0 =	vadd.s32 s26, v0  }
0x32: {  	[tilespmem:s23+$0xFFFFFFD0] =	vst v0  }
0x33: {  	v0 =	vld [tilespmem:$0x20];
	_ =	sdelay $0x4  }
0x34: {  	v0 =	vadd.s32 s26, v0  }
0x35: {  	[tilespmem:s23+$0xFFFFFFE0] =	vst v0  }
0x36: {  	v0 =	vld [tilespmem:$0x30];
	_ =	sdelay $0x4  }
0x37: {  	v0 =	vadd.s32 s26, v0  }
0x38: {  	[tilespmem:s23+$0xFFFFFFF0] =	vst v0  }
0x39: {  	v0 =	vld [tilespmem:$0x40];
	_ =	sdelay $0x4  }
0x3a: {  	v0 =	vadd.s32 s26, v0  }
0x3b: {  	[tilespmem:s23+$0x0] =	vst v0  }
0x3c: {  	v0 =	vld [tilespmem:$0x50];
	_ =	sdelay $0x4  }
0x3d: {  	v0 =	vadd.s32 s26, v0  }
0x3e: {  	[tilespmem:s23+$0x10] =	vst v0  }
0x3f: {  	v0 =	vld [tilespmem:$0x60];
	_ =	sdelay $0x4  }
0x40: {  	v0 =	vadd.s32 s26, v0  }
0x41: {  	[tilespmem:s23+$0x20] =	vst v0  }
0x42: {  	v0 =	vld [tilespmem:$0x70];
	_ =	sdelay $0x2  }
.Ltmp0:
0x43: {  	(pc) =	sbr.rel @p0 .LBB2_2-.Ltmp0, $4  }
0x44: {  	_ = 	snop  }
0x45: {  	v0 =	vadd.s32 s26, v0  }
0x46: {  	[tilespmem:s23+$0x30] =	vst v0  }
0x47: {  	s25 =	sadd.s32 $0x1000, s25;
	v0 =	vld [tilespmem:$0x0]  }
0x48: {  	_ =	sdelay $0x2  }
0x49: {  	s24 =	sadd.s32 s24, s10  }
0x4a: {  	s23 =	sadd.s32 $0x80, s23;
	v0 =	vadd.s32 s24, v0  }
0x4b: {  	[tilespmem:s23+$0xFFFFFFC0] =	vst v0  }
0x4c: {  	v0 =	vld [tilespmem:$0x10];
	_ =	sdelay $0x4  }
0x4d: {  	v0 =	vadd.s32 s24, v0  }
0x4e: {  	[tilespmem:s23+$0xFFFFFFD0] =	vst v0  }
0x4f: {  	v0 =	vld [tilespmem:$0x20];
	_ =	sdelay $0x4  }
0x50: {  	v0 =	vadd.s32 s24, v0  }
0x51: {  	[tilespmem:s23+$0xFFFFFFE0] =	vst v0  }
0x52: {  	v0 =	vld [tilespmem:$0x30];
	_ =	sdelay $0x4  }
0x53: {  	v0 =	vadd.s32 s24, v0  }
0x54: {  	[tilespmem:s23+$0xFFFFFFF0] =	vst v0  }
0x55: {  	v0 =	vld [tilespmem:$0x40];
	_ =	sdelay $0x4  }
0x56: {  	v0 =	vadd.s32 s24, v0  }
0x57: {  	[tilespmem:s23+$0x0] =	vst v0  }
0x58: {  	v0 =	vld [tilespmem:$0x50];
	_ =	sdelay $0x4  }
0x59: {  	v0 =	vadd.s32 s24, v0  }
0x5a: {  	[tilespmem:s23+$0x10] =	vst v0  }
0x5b: {  	v0 =	vld [tilespmem:$0x60];
	_ =	sdelay $0x4  }
0x5c: {  	v0 =	vadd.s32 s24, v0  }
0x5d: {  	[tilespmem:s23+$0x20] =	vst v0  }
0x5e: {  	v0 =	vld [tilespmem:$0x70];
	_ =	sdelay $0x4  }
0x5f: {  	v0 =	vadd.s32 s24, v0  }
0x60: {  	[tilespmem:s23+$0x30] =	vst v0  }
0x61: {  	[tilespmem:s17], [sflag:$0x1] =	stream.indirect.gather [hbm4b:s3+s15], $0x1, s16, s15, $0xb8;
	[tilespmem:$0x10080] =	vst v63  }
0x62: {  	v0 =	vld [tilespmem:$0x0];
	_ =	sdelay $0x3  }
0x63: {  	s31 =	sadd.s32 $0x0, s11  }
0x64: {  	s23 =	simm.s32 $0x40C0;
	v0 =	vadd.s32 s31, v0  }
0x65: {  	[tilespmem:s23+$0xFFFFFFC0] =	vst v0  }
0x66: {  	v0 =	vld [tilespmem:$0x10];
	_ =	sdelay $0x4  }
0x67: {  	v0 =	vadd.s32 s31, v0  }
0x68: {  	[tilespmem:s23+$0xFFFFFFD0] =	vst v0  }
0x69: {  	v0 =	vld [tilespmem:$0x20];
	_ =	sdelay $0x4  }
0x6a: {  	v0 =	vadd.s32 s31, v0  }
0x6b: {  	[tilespmem:s23+$0xFFFFFFE0] =	vst v0  }
0x6c: {  	v0 =	vld [tilespmem:$0x30];
	_ =	sdelay $0x4  }
0x6d: {  	v0 =	vadd.s32 s31, v0  }
0x6e: {  	[tilespmem:s23+$0xFFFFFFF0] =	vst v0  }
0x6f: {  	v0 =	vld [tilespmem:$0x40];
	_ =	sdelay $0x4  }
0x70: {  	v0 =	vadd.s32 s31, v0  }
0x71: {  	[tilespmem:s23+$0x0] =	vst v0  }
0x72: {  	v0 =	vld [tilespmem:$0x50];
	_ =	sdelay $0x4  }
0x73: {  	v0 =	vadd.s32 s31, v0  }
0x74: {  	[tilespmem:s23+$0x10] =	vst v0  }
0x75: {  	v0 =	vld [tilespmem:$0x60];
	_ =	sdelay $0x4  }
0x76: {  	v0 =	vadd.s32 s31, v0  }
0x77: {  	[tilespmem:s23+$0x20] =	vst v0  }
0x78: {  	v0 =	vld [tilespmem:$0x70];
	_ =	sdelay $0x4  }
0x79: {  	v0 =	vadd.s32 s31, v0  }
0x7a: {  	[tilespmem:s23+$0x30] =	vst v0  }
0x7b: {  	s25 =	simm.s32 $0x2000;
	s24 =	simm.s32 $0x1000;
	v0 =	vld [tilespmem:$0x0]  }
.LBB2_4:
0x7c: {  	p0 =	sne.s32 s25, $0x7F000;
	_ =	sdelay $0x2  }
0x7d: {  	s26 =	sadd.s32 s24, s11;
	s24 =	smov.u32 s25  }
0x7e: {  	s23 =	sadd.s32 $0x80, s23;
	v0 =	vadd.s32 s26, v0  }
0x7f: {  	[tilespmem:s23+$0xFFFFFFC0] =	vst v0  }
0x80: {  	v0 =	vld [tilespmem:$0x10];
	_ =	sdelay $0x4  }
0x81: {  	v0 =	vadd.s32 s26, v0  }
0x82: {  	[tilespmem:s23+$0xFFFFFFD0] =	vst v0  }
0x83: {  	v0 =	vld [tilespmem:$0x20];
	_ =	sdelay $0x4  }
0x84: {  	v0 =	vadd.s32 s26, v0  }
0x85: {  	[tilespmem:s23+$0xFFFFFFE0] =	vst v0  }
0x86: {  	v0 =	vld [tilespmem:$0x30];
	_ =	sdelay $0x4  }
0x87: {  	v0 =	vadd.s32 s26, v0  }
0x88: {  	[tilespmem:s23+$0xFFFFFFF0] =	vst v0  }
0x89: {  	v0 =	vld [tilespmem:$0x40];
	_ =	sdelay $0x4  }
0x8a: {  	v0 =	vadd.s32 s26, v0  }
0x8b: {  	[tilespmem:s23+$0x0] =	vst v0  }
0x8c: {  	v0 =	vld [tilespmem:$0x50];
	_ =	sdelay $0x4  }
0x8d: {  	v0 =	vadd.s32 s26, v0  }
0x8e: {  	[tilespmem:s23+$0x10] =	vst v0  }
0x8f: {  	v0 =	vld [tilespmem:$0x60];
	_ =	sdelay $0x4  }
0x90: {  	v0 =	vadd.s32 s26, v0  }
0x91: {  	[tilespmem:s23+$0x20] =	vst v0  }
0x92: {  	v0 =	vld [tilespmem:$0x70];
	_ =	sdelay $0x2  }
.Ltmp1:
0x93: {  	(pc) =	sbr.rel @p0 .LBB2_4-.Ltmp1, $4  }
0x94: {  	_ = 	snop  }
0x95: {  	v0 =	vadd.s32 s26, v0  }
0x96: {  	[tilespmem:s23+$0x30] =	vst v0  }
0x97: {  	s25 =	sadd.s32 $0x1000, s25;
	v0 =	vld [tilespmem:$0x0]  }
0x98: {  	_ =	sdelay $0x2  }
0x99: {  	s24 =	sadd.s32 s24, s11  }
0x9a: {  	s23 =	sadd.s32 $0x80, s23;
	v0 =	vadd.s32 s24, v0  }
0x9b: {  	[tilespmem:s23+$0xFFFFFFC0] =	vst v0  }
0x9c: {  	v0 =	vld [tilespmem:$0x10];
	_ =	sdelay $0x4  }
0x9d: {  	v0 =	vadd.s32 s24, v0  }
0x9e: {  	[tilespmem:s23+$0xFFFFFFD0] =	vst v0  }
0x9f: {  	v0 =	vld [tilespmem:$0x20];
	_ =	sdelay $0x4  }
0xa0: {  	v0 =	vadd.s32 s24, v0  }
0xa1: {  	[tilespmem:s23+$0xFFFFFFE0] =	vst v0  }
0xa2: {  	v0 =	vld [tilespmem:$0x30];
	_ =	sdelay $0x4  }
0xa3: {  	v0 =	vadd.s32 s24, v0  }
0xa4: {  	[tilespmem:s23+$0xFFFFFFF0] =	vst v0  }
0xa5: {  	v0 =	vld [tilespmem:$0x40];
	_ =	sdelay $0x4  }
0xa6: {  	v0 =	vadd.s32 s24, v0  }
0xa7: {  	[tilespmem:s23+$0x0] =	vst v0  }
0xa8: {  	v0 =	vld [tilespmem:$0x50];
	_ =	sdelay $0x4  }
0xa9: {  	v0 =	vadd.s32 s24, v0  }
0xaa: {  	[tilespmem:s23+$0x10] =	vst v0  }
0xab: {  	v0 =	vld [tilespmem:$0x60];
	_ =	sdelay $0x4  }
0xac: {  	v0 =	vadd.s32 s24, v0  }
0xad: {  	[tilespmem:s23+$0x20] =	vst v0  }
0xae: {  	v0 =	vld [tilespmem:$0x70];
	_ =	sdelay $0x4  }
0xaf: {  	v0 =	vadd.s32 s24, v0  }
0xb0: {  	[tilespmem:s23+$0x30] =	vst v0  }
0xb1: {  	[tilespmem:s19], [sflag:$0x2] =	stream.indirect.gather [hbm4b:s3+s15], $0x1, s18, s15, $0xb8;
	[tilespmem:$0x10080] =	vst v63  }
0xb2: {  	_ =	swait.ge [sflag:s20], $0x4000  }
0xb3: {  	[sflag:s20] =	ssyncset.done $0x0  }
0xb4: {  	s30 =	simm.s32 $0x0;
	[sflag:s20] =	ssyncadd.s32 $0xFFFFC000  }
0xb5: {  	[hbm4b:s5+s30] =	stream.linear.scatter [tilespmem:s17], [sflag:$0x3], $0x4000, $0x38;
	[tilespmem:$0x10080] =	vst v63  }
0xb6: {  	_ =	swait.ge [sflag:s14], $0x4000  }
0xb7: {  	[sflag:s14] =	ssyncset.done $0x0  }
0xb8: {  	[sflag:s14] =	ssyncadd.s32 $0xFFFFC000  }
0xb9: {  	v0 =	vld [tilespmem:$0x0];
	_ =	sdelay $0x3  }
0xba: {  	s31 =	sadd.s32 $0x0, s12  }
0xbb: {  	s23 =	simm.s32 $0xC0;
	v0 =	vadd.s32 s31, v0  }
0xbc: {  	[tilespmem:s23+$0xFFFFFFC0] =	vst v0  }
0xbd: {  	v0 =	vld [tilespmem:$0x10];
	_ =	sdelay $0x4  }
0xbe: {  	v0 =	vadd.s32 s31, v0  }
0xbf: {  	[tilespmem:s23+$0xFFFFFFD0] =	vst v0  }
0xc0: {  	v0 =	vld [tilespmem:$0x20];
	_ =	sdelay $0x4  }
0xc1: {  	v0 =	vadd.s32 s31, v0  }
0xc2: {  	[tilespmem:s23+$0xFFFFFFE0] =	vst v0  }
0xc3: {  	v0 =	vld [tilespmem:$0x30];
	_ =	sdelay $0x4  }
0xc4: {  	v0 =	vadd.s32 s31, v0  }
0xc5: {  	[tilespmem:s23+$0xFFFFFFF0] =	vst v0  }
0xc6: {  	v0 =	vld [tilespmem:$0x40];
	_ =	sdelay $0x4  }
0xc7: {  	v0 =	vadd.s32 s31, v0  }
0xc8: {  	[tilespmem:s23+$0x0] =	vst v0  }
0xc9: {  	v0 =	vld [tilespmem:$0x50];
	_ =	sdelay $0x4  }
0xca: {  	v0 =	vadd.s32 s31, v0  }
0xcb: {  	[tilespmem:s23+$0x10] =	vst v0  }
0xcc: {  	v0 =	vld [tilespmem:$0x60];
	_ =	sdelay $0x4  }
0xcd: {  	v0 =	vadd.s32 s31, v0  }
0xce: {  	[tilespmem:s23+$0x20] =	vst v0  }
0xcf: {  	v0 =	vld [tilespmem:$0x70];
	_ =	sdelay $0x4  }
0xd0: {  	v0 =	vadd.s32 s31, v0  }
0xd1: {  	[tilespmem:s23+$0x30] =	vst v0  }
0xd2: {  	s25 =	simm.s32 $0x2000;
	s24 =	simm.s32 $0x1000;
	v0 =	vld [tilespmem:$0x0]  }
.LBB2_6:
0xd3: {  	p0 =	sne.s32 s25, $0x7F000;
	_ =	sdelay $0x2  }
0xd4: {  	s26 =	sadd.s32 s24, s12;
	s24 =	smov.u32 s25  }
0xd5: {  	s23 =	sadd.s32 $0x80, s23;
	v0 =	vadd.s32 s26, v0  }
0xd6: {  	[tilespmem:s23+$0xFFFFFFC0] =	vst v0  }
0xd7: {  	v0 =	vld [tilespmem:$0x10];
	_ =	sdelay $0x4  }
0xd8: {  	v0 =	vadd.s32 s26, v0  }
0xd9: {  	[tilespmem:s23+$0xFFFFFFD0] =	vst v0  }
0xda: {  	v0 =	vld [tilespmem:$0x20];
	_ =	sdelay $0x4  }
0xdb: {  	v0 =	vadd.s32 s26, v0  }
0xdc: {  	[tilespmem:s23+$0xFFFFFFE0] =	vst v0  }
0xdd: {  	v0 =	vld [tilespmem:$0x30];
	_ =	sdelay $0x4  }
0xde: {  	v0 =	vadd.s32 s26, v0  }
0xdf: {  	[tilespmem:s23+$0xFFFFFFF0] =	vst v0  }
0xe0: {  	v0 =	vld [tilespmem:$0x40];
	_ =	sdelay $0x4  }
0xe1: {  	v0 =	vadd.s32 s26, v0  }
0xe2: {  	[tilespmem:s23+$0x0] =	vst v0  }
0xe3: {  	v0 =	vld [tilespmem:$0x50];
	_ =	sdelay $0x4  }
0xe4: {  	v0 =	vadd.s32 s26, v0  }
0xe5: {  	[tilespmem:s23+$0x10] =	vst v0  }
0xe6: {  	v0 =	vld [tilespmem:$0x60];
	_ =	sdelay $0x4  }
0xe7: {  	v0 =	vadd.s32 s26, v0  }
0xe8: {  	[tilespmem:s23+$0x20] =	vst v0  }
0xe9: {  	v0 =	vld [tilespmem:$0x70];
	_ =	sdelay $0x2  }
.Ltmp2:
0xea: {  	(pc) =	sbr.rel @p0 .LBB2_6-.Ltmp2, $4  }
0xeb: {  	_ = 	snop  }
0xec: {  	v0 =	vadd.s32 s26, v0  }
0xed: {  	[tilespmem:s23+$0x30] =	vst v0  }
0xee: {  	s25 =	sadd.s32 $0x1000, s25;
	v0 =	vld [tilespmem:$0x0]  }
0xef: {  	_ =	sdelay $0x2  }
0xf0: {  	s24 =	sadd.s32 s24, s12  }
0xf1: {  	s23 =	sadd.s32 $0x80, s23;
	v0 =	vadd.s32 s24, v0  }
0xf2: {  	[tilespmem:s23+$0xFFFFFFC0] =	vst v0  }
0xf3: {  	v0 =	vld [tilespmem:$0x10];
	_ =	sdelay $0x4  }
0xf4: {  	v0 =	vadd.s32 s24, v0  }
0xf5: {  	[tilespmem:s23+$0xFFFFFFD0] =	vst v0  }
0xf6: {  	v0 =	vld [tilespmem:$0x20];
	_ =	sdelay $0x4  }
0xf7: {  	v0 =	vadd.s32 s24, v0  }
0xf8: {  	[tilespmem:s23+$0xFFFFFFE0] =	vst v0  }
0xf9: {  	v0 =	vld [tilespmem:$0x30];
	_ =	sdelay $0x4  }
0xfa: {  	v0 =	vadd.s32 s24, v0  }
0xfb: {  	[tilespmem:s23+$0xFFFFFFF0] =	vst v0  }
0xfc: {  	v0 =	vld [tilespmem:$0x40];
	_ =	sdelay $0x4  }
0xfd: {  	v0 =	vadd.s32 s24, v0  }
0xfe: {  	[tilespmem:s23+$0x0] =	vst v0  }
0xff: {  	v0 =	vld [tilespmem:$0x50];
	_ =	sdelay $0x4  }
0x100: {  	v0 =	vadd.s32 s24, v0  }
0x101: {  	[tilespmem:s23+$0x10] =	vst v0  }
0x102: {  	v0 =	vld [tilespmem:$0x60];
	_ =	sdelay $0x4  }
0x103: {  	v0 =	vadd.s32 s24, v0  }
0x104: {  	[tilespmem:s23+$0x20] =	vst v0  }
0x105: {  	v0 =	vld [tilespmem:$0x70];
	_ =	sdelay $0x4  }
0x106: {  	v0 =	vadd.s32 s24, v0  }
0x107: {  	[tilespmem:s23+$0x30] =	vst v0  }
0x108: {  	[tilespmem:s17], [sflag:$0x1] =	stream.indirect.gather [hbm4b:s3+s15], $0x1, s16, s15, $0xb8;
	[tilespmem:$0x10080] =	vst v63  }
0x109: {  	_ =	swait.ge [sflag:s21], $0x4000  }
0x10a: {  	[sflag:s21] =	ssyncset.done $0x0  }
0x10b: {  	s30 =	simm.s32 $0x0;
	[sflag:s21] =	ssyncadd.s32 $0xFFFFC000  }
0x10c: {  	[hbm4b:s6+s30] =	stream.linear.scatter [tilespmem:s19], [sflag:$0x3], $0x4000, $0x38;
	[tilespmem:$0x10080] =	vst v63  }
0x10d: {  	_ =	swait.ge [sflag:s14], $0x4000  }
0x10e: {  	[sflag:s14] =	ssyncset.done $0x0  }
0x10f: {  	[sflag:s14] =	ssyncadd.s32 $0xFFFFC000  }
0x110: {  	v0 =	vld [tilespmem:$0x0];
	_ =	sdelay $0x3  }
0x111: {  	s31 =	sadd.s32 $0x0, s13  }
0x112: {  	s23 =	simm.s32 $0x40C0;
	v0 =	vadd.s32 s31, v0  }
0x113: {  	[tilespmem:s23+$0xFFFFFFC0] =	vst v0  }
0x114: {  	v0 =	vld [tilespmem:$0x10];
	_ =	sdelay $0x4  }
0x115: {  	v0 =	vadd.s32 s31, v0  }
0x116: {  	[tilespmem:s23+$0xFFFFFFD0] =	vst v0  }
0x117: {  	v0 =	vld [tilespmem:$0x20];
	_ =	sdelay $0x4  }
0x118: {  	v0 =	vadd.s32 s31, v0  }
0x119: {  	[tilespmem:s23+$0xFFFFFFE0] =	vst v0  }
0x11a: {  	v0 =	vld [tilespmem:$0x30];
	_ =	sdelay $0x4  }
0x11b: {  	v0 =	vadd.s32 s31, v0  }
0x11c: {  	[tilespmem:s23+$0xFFFFFFF0] =	vst v0  }
0x11d: {  	v0 =	vld [tilespmem:$0x40];
	_ =	sdelay $0x4  }
0x11e: {  	v0 =	vadd.s32 s31, v0  }
0x11f: {  	[tilespmem:s23+$0x0] =	vst v0  }
0x120: {  	v0 =	vld [tilespmem:$0x50];
	_ =	sdelay $0x4  }
0x121: {  	v0 =	vadd.s32 s31, v0  }
0x122: {  	[tilespmem:s23+$0x10] =	vst v0  }
0x123: {  	v0 =	vld [tilespmem:$0x60];
	_ =	sdelay $0x4  }
0x124: {  	v0 =	vadd.s32 s31, v0  }
0x125: {  	[tilespmem:s23+$0x20] =	vst v0  }
0x126: {  	v0 =	vld [tilespmem:$0x70];
	_ =	sdelay $0x4  }
0x127: {  	v0 =	vadd.s32 s31, v0  }
0x128: {  	[tilespmem:s23+$0x30] =	vst v0  }
0x129: {  	s25 =	simm.s32 $0x2000;
	s24 =	simm.s32 $0x1000;
	v0 =	vld [tilespmem:$0x0]  }
.LBB2_8:
0x12a: {  	p0 =	sne.s32 s25, $0x7F000;
	_ =	sdelay $0x2  }
0x12b: {  	s26 =	sadd.s32 s24, s13;
	s24 =	smov.u32 s25  }
0x12c: {  	s23 =	sadd.s32 $0x80, s23;
	v0 =	vadd.s32 s26, v0  }
0x12d: {  	[tilespmem:s23+$0xFFFFFFC0] =	vst v0  }
0x12e: {  	v0 =	vld [tilespmem:$0x10];
	_ =	sdelay $0x4  }
0x12f: {  	v0 =	vadd.s32 s26, v0  }
0x130: {  	[tilespmem:s23+$0xFFFFFFD0] =	vst v0  }
0x131: {  	v0 =	vld [tilespmem:$0x20];
	_ =	sdelay $0x4  }
0x132: {  	v0 =	vadd.s32 s26, v0  }
0x133: {  	[tilespmem:s23+$0xFFFFFFE0] =	vst v0  }
0x134: {  	v0 =	vld [tilespmem:$0x30];
	_ =	sdelay $0x4  }
0x135: {  	v0 =	vadd.s32 s26, v0  }
0x136: {  	[tilespmem:s23+$0xFFFFFFF0] =	vst v0  }
0x137: {  	v0 =	vld [tilespmem:$0x40];
	_ =	sdelay $0x4  }
0x138: {  	v0 =	vadd.s32 s26, v0  }
0x139: {  	[tilespmem:s23+$0x0] =	vst v0  }
0x13a: {  	v0 =	vld [tilespmem:$0x50];
	_ =	sdelay $0x4  }
0x13b: {  	v0 =	vadd.s32 s26, v0  }
0x13c: {  	[tilespmem:s23+$0x10] =	vst v0  }
0x13d: {  	v0 =	vld [tilespmem:$0x60];
	_ =	sdelay $0x4  }
0x13e: {  	v0 =	vadd.s32 s26, v0  }
0x13f: {  	[tilespmem:s23+$0x20] =	vst v0  }
0x140: {  	v0 =	vld [tilespmem:$0x70];
	_ =	sdelay $0x2  }
.Ltmp3:
0x141: {  	(pc) =	sbr.rel @p0 .LBB2_8-.Ltmp3, $4  }
0x142: {  	_ = 	snop  }
0x143: {  	v0 =	vadd.s32 s26, v0  }
0x144: {  	[tilespmem:s23+$0x30] =	vst v0  }
0x145: {  	s25 =	sadd.s32 $0x1000, s25;
	v0 =	vld [tilespmem:$0x0]  }
0x146: {  	_ =	sdelay $0x2  }
0x147: {  	s24 =	sadd.s32 s24, s13  }
0x148: {  	s23 =	sadd.s32 $0x80, s23;
	v0 =	vadd.s32 s24, v0  }
0x149: {  	[tilespmem:s23+$0xFFFFFFC0] =	vst v0  }
0x14a: {  	v0 =	vld [tilespmem:$0x10];
	_ =	sdelay $0x4  }
0x14b: {  	v0 =	vadd.s32 s24, v0  }
0x14c: {  	[tilespmem:s23+$0xFFFFFFD0] =	vst v0  }
0x14d: {  	v0 =	vld [tilespmem:$0x20];
	_ =	sdelay $0x4  }
0x14e: {  	v0 =	vadd.s32 s24, v0  }
0x14f: {  	[tilespmem:s23+$0xFFFFFFE0] =	vst v0  }
0x150: {  	v0 =	vld [tilespmem:$0x30];
	_ =	sdelay $0x4  }
0x151: {  	v0 =	vadd.s32 s24, v0  }
0x152: {  	[tilespmem:s23+$0xFFFFFFF0] =	vst v0  }
0x153: {  	v0 =	vld [tilespmem:$0x40];
	_ =	sdelay $0x4  }
0x154: {  	v0 =	vadd.s32 s24, v0  }
0x155: {  	[tilespmem:s23+$0x0] =	vst v0  }
0x156: {  	v0 =	vld [tilespmem:$0x50];
	_ =	sdelay $0x4  }
0x157: {  	v0 =	vadd.s32 s24, v0  }
0x158: {  	[tilespmem:s23+$0x10] =	vst v0  }
0x159: {  	v0 =	vld [tilespmem:$0x60];
	_ =	sdelay $0x4  }
0x15a: {  	v0 =	vadd.s32 s24, v0  }
0x15b: {  	[tilespmem:s23+$0x20] =	vst v0  }
0x15c: {  	v0 =	vld [tilespmem:$0x70];
	_ =	sdelay $0x4  }
0x15d: {  	v0 =	vadd.s32 s24, v0  }
0x15e: {  	[tilespmem:s23+$0x30] =	vst v0  }
0x15f: {  	[tilespmem:s19], [sflag:$0x2] =	stream.indirect.gather [hbm4b:s3+s15], $0x1, s18, s15, $0xb8;
	[tilespmem:$0x10080] =	vst v63  }
0x160: {  	_ =	swait.ge [sflag:s20], $0x4000  }
0x161: {  	[sflag:s20] =	ssyncset.done $0x0  }
0x162: {  	[sflag:s20] =	ssyncadd.s32 $0xFFFFC000  }
0x163: {  	[hbm4b:s7+s2] =	stream.linear.scatter [tilespmem:s17], [sflag:$0x3], $0x4000, $0x38;
	[tilespmem:$0x10080] =	vst v63  }
0x164: {  	_ =	swait.ge [sflag:s14], $0x4000  }
0x165: {  	[sflag:s14] =	ssyncset.done $0x0  }
0x166: {  	[sflag:s14] =	ssyncadd.s32 $0xFFFFC000  }
0x167: {  	s22 =	sadd.s32 $0x1, s22;
	_ =	swait.ge [sflag:s21], $0x4000  }
0x168: {  	p0 =	sne.s32 s22, s9;
	[sflag:s21] =	ssyncset.done $0x0  }
.Ltmp4:
0x169: {  	[sflag:s21] =	ssyncadd.s32 $0xFFFFC000;
	(pc) =	sbr.rel @p0 .LBB2_1-.Ltmp4, $4  }
0x16a: {  	[hbm4b:s8+s2] =	stream.linear.scatter [tilespmem:s19], [sflag:$0x3], $0x4000, $0x38;
	[tilespmem:$0x10080] =	vst v63  }
0x16b: {  	_ =	swait.ge [sflag:s14], $0x4000  }
0x16c: {  	[sflag:s14] =	ssyncset.done $0x0  }
0x16d: {  	[sflag:s14] =	ssyncadd.s32 $0xFFFFC000  }
0x16e: {  	_ =	sfence.sel $0x180000  }
0x16f: {  	[bflag:$0x0] =	sbarrier.arrive $0xFFFF  }
0x170: {  	p0 =	sne.s32 s1, $0x0;
	_ =	strace $0x9000004A  }
0x171: {  	s0 =	sadd.s32 @!p0 $0x100000, s0;
	[bflag:$0x2] =	sbarrier.arrive $0xFFFF  }
0x172: {  	[sflag:s0] =	ssyncadd.tile.s32 @!p0 $0x1;
	_ =	shalt  }
.Lfunc_end2:
_tile_overlayer_lowered:
.L_overlay_start_2:
0x173: {  	(tag) =	ssettag $0x2  }
0x174: {  	s0 =	rddreg [dreg:$0x0];
	s2 =	stileid.u32  }
0x175: {  	s1 =	rddreg [dreg:$0x1];
	p0 =	sne.s32 s2, $0x0  }
0x176: {  	s3 =	rddreg [dreg:$0x2];
	[bflag:$0x3] =	sbarrier.arrive $0xFFFF;
	s2 =	simm.s32 @!p0 $0x1C03  }
0x177: {  	[timem:s3], [sflag:s2] =	dma.local @!p0 [hbm:s0], s1  }
0x178: {  	s0 =	simm.s32 @!p0 $0x3  }
0x179: {  	_ =	swait.ge @!p0 [sflag:s0], s1  }
0x17a: {  	s1 =	ssub.s32 @!p0 $0x0, s1;
	[sflag:s0] =	ssyncset.done @!p0 $0x0  }
0x17b: {  	[sflag:s0] =	ssyncadd.s32 @!p0 s1  }
0x17c: {  	[bflag:$0x3] =	sbarrier.arrive $0xFFFF  }
0x17d: {  	_ =	shalt  }

// kernel: sparse-core-data-format-call.cloned.1.call-start
scs
called_computation_lowered:
.L_overlay_start_0:
0x0: {  	s2 =	sld [smem:$0x3FD9]  }
0x1: {  	s3 =	sld [smem:$0x3FFE];
	_ =	sdelay $0x1  }
0x2: {  	s1 =	srdreg.scid  }
0x3: {  	s0 =	sand.u32 $0x1, s1  }
0x4: {  	s18 =	sshll.u32 s0, $0xA;
	s2 =	sadd.s32 s3, s2  }
0x5: {  	s2 =	sadd.s32 s2, s18  }
0x6: {  	[smem:$0x3FBB] =	sst s2  }
0x7: {  	_ = 	snop  }
0x8: {  	s2 =	sld [smem:$0x3FC9];
	(tm) =	ssettm $0x1  }
0x9: {  	s19 =	sld [smem:$0x3FFB];
	_ =	sdelay $0x3  }
0xa: {  	_ =	strace s19  }
0xb: {  	s3 =	sld [smem:$0x3FFC];
	_ =	sdelay $0x3  }
0xc: {  	_ =	strace s3  }
0xd: {  	s3 =	sld [smem:$0x3FFD];
	_ =	sdelay $0x3  }
0xe: {  	_ =	strace s3  }
0xf: {  	_ =	strace $0x8FFFFFFF  }
0x10: {  	s20 =	sld [smem:$0x3FDB];
	_ =	sdelay $0x1  }
0x11: {  	s4 =	simm.s32 $_scs_section_size  }
0x12: {  	s5 =	simm.s32 $_size__tile_overlayer_lowered;
	s6 =	simm.s32 $_tile_overlayer_lowered  }
0x13: {  	s23 =	simm.s32 $0x1BFF;
	s22 =	sshll.u32 s6, $0x1;
	s3 =	sadd.s32 s4, s20  }
0x14: {  	s7 =	simm.s32 $0x0;
	s21 =	sshll.u32 s5, $0x1;
	s5 =	sadd.s32 s22, s3  }
0x15: {  	[timem:s7], [sflag:s23] =	dma.local [hbm:s5], s21  }
0x16: {  	_ =	swait.ge [sflag:s23], s21  }
0x17: {  	s4 =	ssub.s32 $0x0, s21;
	[sflag:s23] =	ssyncset.done $0x0  }
0x18: {  	[sflag:s23] =	ssyncadd.s32 s4;
	_ =	sdelay $0x1  }
0x19: {  	s24 =	simm.s32 $0x1B8B  }
0x1a: {  	_ =	swait.ge [sflag:s24], $0x1  }
0x1b: {  	[sflag:s24] =	ssyncset.done $0x0  }
0x1c: {  	s26 =	simm.s32 $0x1B8E;
	s25 =	sld [smem:$0x3FFE];
	[sflag:s24] =	ssyncadd.s32 $0xFFFFFFFF  }
0x1d: {  	s27 =	simm.s32 $execute0_lowered;
	[smem:$0x3FD2] =	sst s26  }
0x1e: {  	s5 =	sshll.u32 s27, $0x1;
	_ =	strace $0x80000046;
	[dreg:$0x1] =	wrdreg $0xFFFFFFFF  }
0x1f: {  	s28 =	simm.s32 $_size_execute0_lowered;
	s3 =	sadd.s32 s3, s5;
	[dreg:$0x0] =	wrdreg $0x0  }
0x20: {  	s5 =	sshll.u32 s28, $0x1;
	[dreg:$0x2] =	wrdreg s3  }
0x21: {  	[dreg:$0x3] =	wrdreg s5  }
0x22: {  	[dreg:$0x4] =	wrdreg $0xC0  }
0x23: {  	_ =	task [dreg:s7], $0x5FFFF  }
0x24: {  	[dreg:$0x1] =	wrdreg $0xFFFFFFFF  }
0x25: {  	[dreg:$0x0] =	wrdreg $0x60  }
0x26: {  	[dreg:$0x2] =	wrdreg s2  }
0x27: {  	[dreg:$0x3] =	wrdreg s25  }
0x28: {  	[dreg:$0x4] =	wrdreg $0x9  }
0x29: {  	_ =	task.clear_ibuf [dreg:s7], $0x5FFFF;
	_ =	strace $0x90000046  }
0x2a: {  	s29 =	simm.s32 $0x9;
	_ =	strace $0x80000048  }
0x2b: {  	_ =	swait.ge [sflag:s29], $0x1  }
0x2c: {  	[sflag:s29] =	ssyncadd.s32 $0xFFFFFFFF  }
0x2d: {  	_ =	strace $0x90000048  }
0x2e: {  	_ =	sfence  }
0x2f: {  	s30 =	sld [smem:$0x0];
	_ =	sdelay $0x2  }
0x30: {  	s31 =	sshll.u32 s1, $0xD;
	s1 =	sshrl.u32 s1, $0x2  }
0x31: {  	s3 =	sand.u32 $0x4000, s31;
	s1 =	sadd.s32 s1, s30  }
0x32: {  	s0 =	sor.u32 s3, s0;
	s1 =	sshll.u32 s1, $0x11  }
0x33: {  	s0 =	sor.u32 s1, s0  }
0x34: {  	s0 =	sadd.s32 $0x8F2B, s0  }
0x35: {  	[sflag:s0] =	ssyncadd.remote.s32 $0x1  }
0x36: {  	_ =	sfence.sel $0xFFFF  }
0x37: {  	[dreg:$0x0] =	wrdreg $0xFFFFFFFF;
	(pc) =	sbr.abs _section_cstart, $3  }
0x38: {  	[dreg:$0x1] =	wrdreg $0xFFFFFFFF  }
0x39: {  	_ =	task.clear_ibuf [dreg:s7], $0x2FFFF;
	_ =	strace $0x9FFFFFFF  }
0x3a: {  	(tm) =	ssettm $0x7FFFFFFF  }
0x3b: {  	_ =	shalt  }
tec
execute0_lowered:
.L_overlay_start_1:
0x0: {  	(tag) =	ssettag $0x1  }
0x1: {  	s2 =	rddreg [dreg:$0x0]  }
0x2: {  	s1 =	rddreg [dreg:$0x1]  }
0x3: {  	s0 =	rddreg [dreg:$0x2];
	_ =	strace $0x80000047;
	s4 =	srdreg.scid  }
0x4: {  	s6 =	simm.s32 $0x2;
	s11 =	simm.s32 $0x0;
	p0 =	por $0x0, $0x0  }
.Ltmp0:
0x5: {  	s7 =	simm.s32 $0x1000;
	s12 =	simm.s32 $0x0;
	(pc) =	sbr.rel .LBB1_1-.Ltmp0, $4  }
0x6: {  	s9 =	simm.s32 $0x0;
	s3 =	sadd.s32 $0x3400, s1;
	s5 =	sshll.u32 s4, $0x4  }
0x7: {  	s1 =	stileid.u32;
	s4 =	simm.s32 $0x1;
	s5 =	sand.u32 $0x10, s5  }
0x8: {  	s8 =	simm.s32 $0x0;
	[sflag:s4] =	ssyncpa.u1 $0x0;
	s5 =	sor.u32 s1, s5  }
0x9: {  	[sflag:s6] =	ssyncpa.u1 $0x0;
	s6 =	simm.s32 $0x800;
	s10 =	smov.u32 s5  }
.LBB1_7:
0xa: {  	s13 =	sadd.s32 $0x10, s9  }
0xb: {  	s11 =	sadd.s32 $0x20, s10;
	s15 =	smov.u32 s10;
	p2 =	sgt.s32 s13, $0x1F  }
0xc: {  	p1 =	slt.u32 s8, $0x2;
	s15 =	smov.u32 @p2 s11  }
0xd: {  	s8 =	sadd.s32 $0x1, s8;
	s13 =	simm.s32 @p2 $0x0;
	p2 =	sgt.s32 s15, $0x7FF  }
0xe: {  	s15 =	smov.u32 @p2 s5;
	p2 =	sne.s32 s8, $0x82  }
.Ltmp1:
0xf: {  	_ = 	snop;
	(pc) =	sbr.rel @!p2 .LBB1_8-.Ltmp1, $4  }
0x10: {  	s14 =	simm.s32 @!p1 $0x2  }
0x11: {  	s12 =	smov.u32 s10;
	_ =	swait.ge @!p1 [sflag:s14], $0x4000  }
0x12: {  	p0 =	por !p0, !p0;
	s11 =	smov.u32 s9;
	[sflag:s14] =	ssyncset.done @!p1 $0x0  }
0x13: {  	s9 =	smov.u32 s13;
	[sflag:s14] =	ssyncadd.s32 @!p1 $0xFFFFC000;
	s10 =	smov.u32 s15  }
.LBB1_1:
0x14: {  	p1 =	sgt.u32 s8, $0x7F  }
0x15: {  	s13 =	sxor.u32 @!p1 $0xFFFFFFFF, s8;
	s14 =	sshll.u32 @!p1 s10, $0xC  }
0x16: {  	s15 =	sshll.u32 @!p1 s9, $0x7;
	s13 =	sshll.u32 @!p1 s13, $0xE;
	s14 =	sadd.s32 @!p1 s2, s14  }
0x17: {  	s13 =	sand.u32 @!p1 $0x4000, s13;
	s14 =	sadd.s32 @!p1 s15, s14;
	s15 =	simm.s32 @!p1 $0x0  }
0x18: {  	[tilespmem:s13], [sflag:$0x1] =	stream.linear.gather @!p1 [hbm4b:s14+s15], $0x4000, $0x38;
	[tilespmem:$0x10000] =	vst v63  }
0x19: {  	p1 =	seq.s32 s8, $0x0  }
0x1a: {  	p2 =	seq.s32 @!p1 s8, $0x81  }
0x1b: {  	p1 =	por p1, p2  }
.Ltmp2:
0x1c: {  	_ = 	snop;
	(pc) =	sbr.rel @p1 .LBB1_7-.Ltmp2, $1  }
0x1d: {  	_ =	sdelay $0x3  }
0x1e: {  	s13 =	simm.s32 $0x1;
	_ =	swait.ge [sflag:s4], $0x4000;
	s16 =	sshll.u32 s8, $0xE  }
0x1f: {  	s13 =	simm.s32 @!p0 $0x0;
	[sflag:s4] =	ssyncset.done $0x0;
	s31 =	sand.u32 $0x4000, s16  }
0x20: {  	s16 =	simm.s32 $0x0;
	s14 =	sshll.u32 s13, $0xE;
	[sflag:s4] =	ssyncadd.s32 $0xFFFFC000  }
0x21: {  	s13 =	sor.u32 $0x8040, s14;
	s15 =	sor.u32 $0x40, s14;
	s14 =	sor.u32 $0x8000, s31  }
.LBB1_3:
0x22: {  	v0 =	vmov s15;
	_ =	sdelay $0x3  }
0x23: {  	s18 =	simm.s32 $0x0  }
0x24: {  	v6 =	vld.idx.msk [tilespmem:v0+s18+$0x30 ss:$0x1], $0xffff  }
0x25: {  	v7 =	vld.idx.msk [tilespmem:v0+s18+$0xFFFFFFC0 ss:$0x1], $0xffff  }
0x26: {  	v5 =	vld.idx.msk [tilespmem:v0+s18+$0xFFFFFFD0 ss:$0x1], $0xffff  }
0x27: {  	v4 =	vld.idx.msk [tilespmem:v0+s18+$0xFFFFFFE0 ss:$0x1], $0xffff  }
0x28: {  	v3 =	vld.idx.msk [tilespmem:v0+s18+$0xFFFFFFF0 ss:$0x1], $0xffff  }
0x29: {  	v1 =	vld.idx.msk [tilespmem:v0+s18+$0x0 ss:$0x1], $0xffff  }
0x2a: {  	v2 =	vld.idx.msk [tilespmem:v0+s18+$0x10 ss:$0x1], $0xffff;
	[tilespmem:s13+$0x30] =	vst v6  }
0x2b: {  	s17 =	simm.s32 $0x80;
	s19 =	simm.s32 $0x400;
	[tilespmem:s13+$0xFFFFFFC0] =	vst v7;
	v6 =	vld.idx.msk [tilespmem:v0+s18+$0x20 ss:$0x1], $0xffff;
	s18 =	smov.u32 s13  }
.LBB1_4:
0x2c: {  	p1 =	sne.s32 s19, $0xE00;
	v7 =	vld.idx.msk [tilespmem:v0+s17+$0x30 ss:$0x1], $0xffff;
	[tilespmem:s18+$0xFFFFFFD0] =	vst v5  }
0x2d: {  	v8 =	vld.idx.msk [tilespmem:v0+s17+$0xFFFFFFC0 ss:$0x1], $0xffff;
	[tilespmem:s18+$0xFFFFFFE0] =	vst v4  }
0x2e: {  	v5 =	vld.idx.msk [tilespmem:v0+s17+$0xFFFFFFD0 ss:$0x1], $0xffff;
	[tilespmem:s18+$0xFFFFFFF0] =	vst v3  }
.Ltmp3:
0x2f: {  	v4 =	vld.idx.msk [tilespmem:v0+s17+$0xFFFFFFE0 ss:$0x1], $0xffff;
	[tilespmem:s18+$0x0] =	vst v1;
	(pc) =	sbr.rel @p1 .LBB1_4-.Ltmp3, $4  }
0x30: {  	v3 =	vld.idx.msk [tilespmem:v0+s17+$0xFFFFFFF0 ss:$0x1], $0xffff;
	[tilespmem:s18+$0x10] =	vst v2  }
0x31: {  	v1 =	vld.idx.msk [tilespmem:v0+s17+$0x0 ss:$0x1], $0xffff;
	[tilespmem:s18+$0x20] =	vst v6;
	s18 =	sadd.s32 $0x800, s18  }
0x32: {  	v2 =	vld.idx.msk [tilespmem:v0+s17+$0x10 ss:$0x1], $0xffff;
	[tilespmem:s18+$0x30] =	vst v7  }
0x33: {  	[tilespmem:s18+$0xFFFFFFC0] =	vst v8;
	v6 =	vld.idx.msk [tilespmem:v0+s17+$0x20 ss:$0x1], $0xffff;
	s17 =	sshra.s32 s19, $0x2;
	s19 =	sadd.s32 $0x200, s19  }
0x34: {  	_ =	sdelay $0x2  }
0x35: {  	[tilespmem:s18+$0xFFFFFFD0] =	vst v5  }
0x36: {  	v56 =	vld.idx.msk [tilespmem:v0+s17+$0x30 ss:$0x1], $0xffff;
	[tilespmem:s18+$0xFFFFFFE0] =	vst v4  }
0x37: {  	v57 =	vld.idx.msk [tilespmem:v0+s17+$0xFFFFFFC0 ss:$0x1], $0xffff;
	[tilespmem:s18+$0xFFFFFFF0] =	vst v3  }
0x38: {  	v58 =	vld.idx.msk [tilespmem:v0+s17+$0xFFFFFFD0 ss:$0x1], $0xffff;
	[tilespmem:s18+$0x0] =	vst v1  }
0x39: {  	v59 =	vld.idx.msk [tilespmem:v0+s17+$0xFFFFFFE0 ss:$0x1], $0xffff;
	[tilespmem:s18+$0x10] =	vst v2  }
0x3a: {  	v60 =	vld.idx.msk [tilespmem:v0+s17+$0xFFFFFFF0 ss:$0x1], $0xffff;
	s31 =	sadd.s32 $0x800, s18;
	[tilespmem:s18+$0x20] =	vst v6  }
0x3b: {  	v61 =	vld.idx.msk [tilespmem:v0+s17+$0x0 ss:$0x1], $0xffff;
	[tilespmem:s31+$0x30] =	vst v56  }
0x3c: {  	v62 =	vld.idx.msk [tilespmem:v0+s17+$0x10 ss:$0x1], $0xffff;
	s16 =	sadd.s32 $0x1, s16;
	[tilespmem:s31+$0xFFFFFFC0] =	vst v57  }
0x3d: {  	v63 =	vld.idx.msk [tilespmem:v0+s17+$0x20 ss:$0x1], $0xffff;
	p1 =	sne.s32 s16, $0x10;
	[tilespmem:s31+$0xFFFFFFD0] =	vst v58  }
.Ltmp4:
0x3e: {  	[tilespmem:s31+$0xFFFFFFE0] =	vst v59;
	(pc) =	sbr.rel @p1 .LBB1_3-.Ltmp4, $4  }
0x3f: {  	[tilespmem:s31+$0xFFFFFFF0] =	vst v60  }
0x40: {  	[tilespmem:s31+$0x0] =	vst v61  }
0x41: {  	[tilespmem:s31+$0x10] =	vst v62  }
0x42: {  	s13 =	sadd.s32 $0x80, s13;
	s15 =	sadd.s32 $0x400, s15;
	[tilespmem:s31+$0x20] =	vst v63  }
.Ltmp5:
0x43: {  	(pc) =	sbr.rel .LBB1_7-.Ltmp5, $4  }
0x44: {  	s12 =	sshll.u32 s12, $0xC;
	s11 =	sshll.u32 s11, $0x4  }
0x45: {  	s11 =	sand.u32 $0x1F0, s11;
	s12 =	sadd.s32 s3, s12  }
0x46: {  	s11 =	sadd.s32 s11, s12  }
0x47: {  	[hbm4b:s11+s6] =	stream.strided.scatter [tilespmem:s14], [sflag:$0x2], $0x4000, s7, s6, $0x38;
	[tilespmem:$0x10000] =	vst v63  }
.LBB1_8:
0x48: {  	_ =	sfence.sel $0x180000  }
0x49: {  	s2 =	simm.s32 $0x1;
	[bflag:$0x0] =	sbarrier.arrive $0xFFFF  }
0x4a: {  	s31 =	simm.s32 $0x2;
	[sflag:s2] =	ssyncpa.u1 $0x1  }
0x4b: {  	[sflag:s31] =	ssyncpa.u1 $0x1  }
0x4c: {  	p0 =	sne.s32 s1, $0x0;
	_ =	strace $0x90000047  }
0x4d: {  	s0 =	sadd.s32 @!p0 $0x100000, s0;
	[bflag:$0x2] =	sbarrier.arrive $0xFFFF  }
0x4e: {  	[sflag:s0] =	ssyncadd.tile.s32 @!p0 $0x1;
	_ =	shalt  }
.Lfunc_end1:
_tile_overlayer_lowered:
.L_overlay_start_2:
0x4f: {  	(tag) =	ssettag $0x2  }
0x50: {  	s0 =	rddreg [dreg:$0x0];
	s2 =	stileid.u32  }
0x51: {  	s1 =	rddreg [dreg:$0x1];
	p0 =	sne.s32 s2, $0x0  }
0x52: {  	s3 =	rddreg [dreg:$0x2];
	[bflag:$0x3] =	sbarrier.arrive $0xFFFF;
	s2 =	simm.s32 @!p0 $0x1C01  }
0x53: {  	[timem:s3], [sflag:s2] =	dma.local @!p0 [hbm:s0], s1  }
0x54: {  	s0 =	simm.s32 @!p0 $0x1  }
0x55: {  	_ =	swait.ge @!p0 [sflag:s0], s1  }
0x56: {  	s1 =	ssub.s32 @!p0 $0x0, s1;
	[sflag:s0] =	ssyncset.done @!p0 $0x0  }
0x57: {  	[sflag:s0] =	ssyncadd.s32 @!p0 s1  }
0x58: {  	[bflag:$0x3] =	sbarrier.arrive $0xFFFF  }
0x59: {  	_ =	shalt  }

</sc_bundles>
